<compile_context>
chip_gen: v7x
topology: tpu7x:2x2x1
jax: 0.10.2.dev20260603
libtpu: 0.0.44.dev20260713+nightly
codegen_flags: <defaults>
</compile_context>

<pallas_src>
import jax
import jax.numpy as jnp
from jax import lax
from jax.experimental import pallas as pl
from jax.experimental.pallas import tpu as pltpu

N = 10000
D = 128
K = N // 2
BLK = 1000


def _tc_topk_body(x_ref, w_ref, b_ref, idx_ref, s_ref):
    X = x_ref[...]
    Wv = w_ref[...]
    bb = b_ref[0, 0]
    s_ref[...] = jnp.sum(X * Wv, axis=1, keepdims=True) + bb
    dn = (((1,), (1,)), ((), ()))
    ones11 = jnp.ones((1, 1), jnp.float32)
    s_row = lax.dot_general(ones11, s_ref[...], dn,
                            preferred_element_type=jnp.float32)
    j_row = lax.broadcasted_iota(jnp.int32, (1, N), 1)
    p_row = lax.broadcasted_iota(jnp.int32, (1, K), 1).astype(jnp.float32)

    def blk(ib, acc):
        s_blk = s_ref[pl.ds(ib * BLK, BLK), :]
        i_blk = lax.broadcasted_iota(jnp.int32, (BLK, 1), 0) + ib * BLK
        gt = s_row > s_blk
        tie = (s_row == s_blk) & (j_row < i_blk)
        rank = jnp.sum(jnp.where(gt | tie, 1.0, 0.0), axis=1, keepdims=True)
        sel = rank == p_row
        contrib = jnp.sum(jnp.where(sel, i_blk.astype(jnp.float32), 0.0),
                          axis=0, keepdims=True)
        return acc + contrib

    acc = lax.fori_loop(0, N // BLK, blk, jnp.zeros((1, K), jnp.float32))
    idx_ref[...] = acc.astype(jnp.int32)


_tc_topk = pl.pallas_call(
    _tc_topk_body,
    out_shape=jax.ShapeDtypeStruct((1, K), jnp.int32),
    scratch_shapes=[pltpu.VMEM((N, 1), jnp.float32)],
)


def kernel(node_features, adjacency_matrix, W, b):
    idx = _tc_topk(node_features, W, b.reshape(1, 1)).reshape(K)
    feat = jnp.take(node_features, idx, axis=0)
    adj = jnp.take(jnp.take(adjacency_matrix, idx, axis=0), idx, axis=1)
    return (feat, adj)

# --- scband reference (transcript-rebuilt; emitter-appended) ---
"""Pipeline reference for scband-top-kpooling-88742614270235 (READ-ONLY COPY).

The authoritative reference and input builder live on the scoring server;
editing this copy changes nothing except your own understanding.
"""

import jax, jax.numpy as jnp
import numpy as np

N = 10000
D = 128
RATIO = 0.5

def setup_inputs(seed: int = 0) -> dict:
    key = jax.random.key(seed)
    k1, k2, k3 = jax.random.split(key, 3)
    node_features = jax.random.normal(k1, (N, D), dtype=jnp.float32)
    adjacency_matrix = jax.random.uniform(k2, (N, N), dtype=jnp.float32)
    # nn.Linear(in_channels, 1): weight [1, D], bias [1]
    W = jax.random.normal(k3, (1, D), dtype=jnp.float32) / np.sqrt(D)
    b = jnp.zeros((1,), dtype=jnp.float32)
    return {"node_features": node_features, "adjacency_matrix": adjacency_matrix, "W": W, "b": b}

def reference(node_features, adjacency_matrix, W, b):
    num_nodes = node_features.shape[0]
    num_keep = int(num_nodes * RATIO)
    # importance_scores = Linear(node_features).squeeze(-1)
    importance_scores = (node_features @ W.T + b)[:, 0]
    _, topk_indices = jax.lax.top_k(importance_scores, num_keep)
    pooled_features = jnp.take(node_features, topk_indices, axis=0)
    pooled_adjacency = jnp.take(jnp.take(adjacency_matrix, topk_indices, axis=0), topk_indices, axis=1)
    return (pooled_features, pooled_adjacency)

if __name__ == "__main__":
    import jax
    _d = setup_inputs()
    print(jax.jit(kernel)(*tuple(_d.values())))

</pallas_src>

<mosaic_0001>
module attributes {stable_mosaic.version = 14 : i64} {
  func.func @_tc_topk_body(%arg0: memref<10000x128xf32, #tpu.memory_space<vmem>>, %arg1: memref<1x128xf32, #tpu.memory_space<vmem>>, %arg2: memref<1x1xf32, #tpu.memory_space<vmem>>, %arg3: memref<1x5000xi32, #tpu.memory_space<vmem>>, %arg4: memref<10000x1xf32, #tpu.memory_space<vmem>>) attributes {dimension_semantics = [], scalar_prefetch = 0 : i64, scratch_operands = 1 : i64, tpu.core_type = #tpu.core_type<tc>} {
    %get3A = arith.constant 0 : index
    %get3A_0 = arith.constant 0 : index
    %get3A_1 = vector.load %arg0[%get3A, %get3A_0] : memref<10000x128xf32, #tpu.memory_space<vmem>>, vector<10000x128xf32>
    %get3A_2 = arith.constant 0 : index
    %get3A_3 = arith.constant 0 : index
    %get3A_4 = vector.load %arg1[%get3A_2, %get3A_3] : memref<1x128xf32, #tpu.memory_space<vmem>>, vector<1x128xf32>
    %get3A_5 = arith.constant 0 : index
    %get3A_6 = arith.constant 0 : index
    %get3A_7 = vector.load %arg2[%get3A_5, %get3A_6] : memref<1x1xf32, #tpu.memory_space<vmem>>, vector<1x1xf32>
    %get3A_8 = vector.extract %get3A_7[0, 0] : f32 from vector<1x1xf32>
    %mul3A = vector.broadcast %get3A_4 : vector<1x128xf32> to vector<10000x128xf32>
    %mul3A_9 = arith.mulf %get3A_1, %mul3A : vector<10000x128xf32>
    %reduce_sum3A = arith.constant dense<0.000000e+00> : vector<10000xf32>
    %reduce_sum3A_10 = vector.multi_reduction <add>, %mul3A_9, %reduce_sum3A [1] : vector<10000x128xf32> to vector<10000xf32>
    %broadcast_in_dim3A = vector.shape_cast %reduce_sum3A_10 : vector<10000xf32> to vector<10000x1xf32>
    %add3A = vector.broadcast %get3A_8 : f32 to vector<10000x1xf32>
    %add3A_11 = arith.addf %broadcast_in_dim3A, %add3A : vector<10000x1xf32>
    %swap3A = arith.constant 0 : index
    %swap3A_12 = arith.constant 0 : index
    %swap3A_13 = vector.load %arg4[%swap3A, %swap3A_12] : memref<10000x1xf32, #tpu.memory_space<vmem>>, vector<10000x1xf32>
    tpu.vector_store %arg4[%swap3A, %swap3A_12], %add3A_11 {strides = array<i32>} : memref<10000x1xf32, #tpu.memory_space<vmem>>, vector<10000x1xf32>,
    %broadcast_in_dim3A_14 = arith.constant 1.000000e+00 : f32
    %broadcast_in_dim3A_15 = vector.broadcast %broadcast_in_dim3A_14 : f32 to vector<1x1xf32>
    %get3A_16 = arith.constant 0 : index
    %get3A_17 = arith.constant 0 : index
    %get3A_18 = vector.load %arg4[%get3A_16, %get3A_17] : memref<10000x1xf32, #tpu.memory_space<vmem>>, vector<10000x1xf32>
    %dot_general3A = arith.constant dense<0.000000e+00> : vector<1x10000xf32>
    %dot_general3A_19 = tpu.matmul %broadcast_in_dim3A_15, %get3A_18, %dot_general3A {dimension_numbers = #tpu.dot_dimension_numbers<[1], [1], [0], [0], [0, 0, 1, 0], [], []>, transpose_lhs_hint = false} : vector<1x1xf32>, vector<10000x1xf32>, vector<1x10000xf32> -> vector<1x10000xf32>
    %iota3A = tpu.iota {dimensions = array<i32: 1>} : vector<1x10000xi32>
    %iota3A_20 = tpu.iota {dimensions = array<i32: 1>} : vector<1x5000xi32>
    %convert_element_type3A = arith.sitofp %iota3A_20 : vector<1x5000xi32> to vector<1x5000xf32>
    %broadcast_in_dim3A_21 = arith.constant 0.000000e+00 : f32
    %broadcast_in_dim3A_22 = vector.broadcast %broadcast_in_dim3A_21 : f32 to vector<1x5000xf32>
    %scan3A = arith.constant 0 : i32
    %scan3A_23 = arith.constant 10 : i32
    %scan3A_24 = arith.addi %scan3A, %scan3A_23 : i32
    %scan3A_25 = arith.constant 1 : i32
    %scan3A_26 = scf.for %scan3A_32 = %scan3A to %scan3A_24 step %scan3A_25 iter_args(%scan3A_33 = %broadcast_in_dim3A_22) -> (vector<1x5000xf32>)  : i32 {
      %mul3A_34 = arith.constant 1000 : i32
      %mul3A_35 = arith.muli %scan3A_32, %mul3A_34 : i32
      %get3A_36 = arith.index_cast %mul3A_35 : i32 to index
      %get3A_37 = arith.constant 0 : index
      %get3A_38 = vector.load %arg4[%get3A_36, %get3A_37] : memref<10000x1xf32, #tpu.memory_space<vmem>>, vector<1000x1xf32>
      %iota3A_39 = tpu.iota {dimensions = array<i32: 0>} : vector<1000x1xi32>
      %mul3A_40 = arith.constant 1000 : i32
      %mul3A_41 = arith.muli %scan3A_32, %mul3A_40 : i32
      %add3A_42 = vector.broadcast %mul3A_41 : i32 to vector<1000x1xi32>
      %add3A_43 = arith.addi %iota3A_39, %add3A_42 : vector<1000x1xi32>
      %gt3A = vector.broadcast %dot_general3A_19 : vector<1x10000xf32> to vector<1000x10000xf32>
      %gt3A_44 = vector.broadcast %get3A_38 : vector<1000x1xf32> to vector<1000x10000xf32>
      %gt3A_45 = arith.cmpf ogt, %gt3A, %gt3A_44 : vector<1000x10000xf32>
      %eq3A = vector.broadcast %dot_general3A_19 : vector<1x10000xf32> to vector<1000x10000xf32>
      %eq3A_46 = vector.broadcast %get3A_38 : vector<1000x1xf32> to vector<1000x10000xf32>
      %eq3A_47 = arith.cmpf oeq, %eq3A, %eq3A_46 : vector<1000x10000xf32>
      %lt3A = vector.broadcast %iota3A : vector<1x10000xi32> to vector<1000x10000xi32>
      %lt3A_48 = vector.broadcast %add3A_43 : vector<1000x1xi32> to vector<1000x10000xi32>
      %lt3A_49 = arith.cmpi slt, %lt3A, %lt3A_48 : vector<1000x10000xi32>
      %and3A = arith.andi %eq3A_47, %lt3A_49 : vector<1000x10000xi1>
      %or3A = arith.ori %gt3A_45, %and3A : vector<1000x10000xi1>
      %jit3A = arith.constant 1.000000e+00 : f32
      %jit3A_50 = arith.constant 0.000000e+00 : f32
      %broadcast_in_dim3A_51 = vector.broadcast %jit3A : f32 to vector<1000x10000xf32>
      %broadcast_in_dim3A_52 = vector.broadcast %jit3A_50 : f32 to vector<1000x10000xf32>
      %select_n3A = arith.select %or3A, %broadcast_in_dim3A_51, %broadcast_in_dim3A_52 : vector<1000x10000xi1>, vector<1000x10000xf32>
      %reduce_sum3A_53 = arith.constant dense<0.000000e+00> : vector<1000xf32>
      %reduce_sum3A_54 = vector.multi_reduction <add>, %select_n3A, %reduce_sum3A_53 [1] : vector<1000x10000xf32> to vector<1000xf32>
      %broadcast_in_dim3A_55 = vector.shape_cast %reduce_sum3A_54 : vector<1000xf32> to vector<1000x1xf32>
      %eq3A_56 = vector.broadcast %broadcast_in_dim3A_55 : vector<1000x1xf32> to vector<1000x5000xf32>
      %eq3A_57 = vector.broadcast %convert_element_type3A : vector<1x5000xf32> to vector<1000x5000xf32>
      %eq3A_58 = arith.cmpf oeq, %eq3A_56, %eq3A_57 : vector<1000x5000xf32>
      %convert_element_type3A_59 = arith.sitofp %add3A_43 : vector<1000x1xi32> to vector<1000x1xf32>
      %jit3A_60 = arith.constant 0.000000e+00 : f32
      %broadcast_in_dim3A_61 = vector.shape_cast %convert_element_type3A_59 : vector<1000x1xf32> to vector<1000x1xf32>
      %broadcast_in_dim3A_62 = vector.broadcast %broadcast_in_dim3A_61 : vector<1000x1xf32> to vector<1000x5000xf32>
      %broadcast_in_dim3A_63 = vector.broadcast %jit3A_60 : f32 to vector<1000x5000xf32>
      %select_n3A_64 = arith.select %eq3A_58, %broadcast_in_dim3A_62, %broadcast_in_dim3A_63 : vector<1000x5000xi1>, vector<1000x5000xf32>
      %reduce_sum3A_65 = arith.constant dense<0.000000e+00> : vector<5000xf32>
      %reduce_sum3A_66 = vector.multi_reduction <add>, %select_n3A_64, %reduce_sum3A_65 [0] : vector<1000x5000xf32> to vector<5000xf32>
      %broadcast_in_dim3A_67 = vector.shape_cast %reduce_sum3A_66 : vector<5000xf32> to vector<1x5000xf32>
      %add3A_68 = arith.addf %scan3A_33, %broadcast_in_dim3A_67 : vector<1x5000xf32>
      scf.yield %add3A_68 : vector<1x5000xf32>
    }
    %scan3A_27 = arith.constant 10 : i32
    %convert_element_type3A_28 = arith.fptosi %scan3A_26 : vector<1x5000xf32> to vector<1x5000xi32>
    %swap3A_29 = arith.constant 0 : index
    %swap3A_30 = arith.constant 0 : index
    %swap3A_31 = vector.load %arg3[%swap3A_29, %swap3A_30] : memref<1x5000xi32, #tpu.memory_space<vmem>>, vector<1x5000xi32>
    tpu.vector_store %arg3[%swap3A_29, %swap3A_30], %convert_element_type3A_28 {strides = array<i32>} : memref<1x5000xi32, #tpu.memory_space<vmem>>, vector<1x5000xi32>,
    return
  }
}

</mosaic_0001>

<sc_bundles>
// kernel: gather_offload_async_start.1
scs
__scs_entry_jumppad:
0x0: {  	(pc) =	sbr.rel $0x88, $3  }
0x1: {  	(tag) =	ssettag $0x0;
	lr =	simm.s32 $0x1  }
0x2: {  	[smem:$0x3F9D] =	sst lr;
	_ =	strace $0xD0000000  }
0x3: {  	_ = 	snop  }
0x4: {  	_ = 	snop  }
0x5: {  	_ = 	snop  }
0x6: {  	_ = 	snop  }
0x7: {  	_ = 	snop  }
__scs_overlays_trampoline_lowered:
0x8: {  	[smem:$0x3FAC] =	sst s0  }
0x9: {  	[smem:$0x3FAD] =	sst s1  }
0xa: {  	[smem:$0x3FAE] =	sst s2  }
0xb: {  	[smem:$0x3FAF] =	sst s3  }
0xc: {  	[smem:$0x3FB0] =	sst s4  }
0xd: {  	[smem:$0x3FB1] =	sst s5  }
0xe: {  	[smem:$0x3FB2] =	sst s6  }
0xf: {  	[smem:$0x3FB3] =	sst s7  }
0x10: {  	[smem:$0x3FB4] =	sst s8  }
0x11: {  	[smem:$0x3FB5] =	sst s9;
	s0 =	simm.s32 @!p0 $0x0  }
0x12: {  	s1 =	sld [smem:$0x3F9B];
	s0 =	simm.s32 @p0 $0x1  }
0x13: {  	[smem:$0x3FB6] =	sst s0;
	s0 =	simm.s32 @!p1 $0x0  }
0x14: {  	s2 =	sld [smem:$0x3F9A];
	s0 =	simm.s32 @p1 $0x1  }
0x15: {  	[smem:$0x3FB7] =	sst s0;
	s0 =	simm.s32 @!p2 $0x0  }
0x16: {  	s3 =	sld [smem:$0x3FDB];
	s0 =	simm.s32 @p2 $0x1  }
0x17: {  	s4 =	simm.s32 $0x1BF5;
	[smem:$0x3FB9] =	sst s0  }
0x18: {  	s0 =	sld [smem:$0x3F9C];
	_ =	swait.ge [sflag:s4], $0x0  }
0x19: {  	s7 =	sld [smem:$0x3F9D]  }
0x1a: {  	s8 =	sadd.s32 $0xFFFFE003, lr  }
0x1b: {  	s9 =	sadd.s32 $0xFFFFFEF7, lr;
	s5 =	simm.s32 $0xFFFFFFFF;
	p2 =	slt.u32 s8, $0xFFFFF086  }
0x1c: {  	p1 =	slt.u32 s9, $0xF7A;
	s5 =	simm.s32 @!p2 $0x0  }
0x1d: {  	s5 =	simm.s32 @p1 $0x1;
	p0 =	seq.s32 s7, s2  }
0x1e: {  	s7 =	smul.u32 @!p0 $0xF7A, s2;
	p2 =	seq.s32 @!p0 s5, $0x0  }
0x1f: {  	s9 =	smul.u32 $0xF7A, s1;
	s8 =	simm.s32 @!p0 $0x1BF5;
	p2 =	por !p2, p0  }
0x20: {  	[sflag:s8] =	ssyncset.s32 @!p0 $0xFFFFF086;
	s6 =	sadd.s32 @!p0 s3, s7;
	s7 =	simm.s32 @!p0 $0x108  }
0x21: {  	s3 =	sadd.s32 s3, s9;
	s6 =	sadd.s32 @!p0 $0x88, s6;
	s7 =	simm.s32 @p2 $0x1082  }
0x22: {  	[simem:s7], [sflag:s8] =	dma.local @!p0 [hbm:s6], $0xF7A  }
0x23: {  	s9 =	sor.u32 $0xD0000000, s2;
	s6 =	simm.s32 $0x108;
	_ =	swait.ge @!p0 [sflag:s8], $0x0  }
0x24: {  	s3 =	sadd.s32 $0x88, s3;
	s6 =	simm.s32 @!p1 $0x1082;
	[sflag:s4] =	ssyncset.s32 $0xFFFFF086  }
0x25: {  	[simem:s6], [sflag:s4] =	dma.local [hbm:s3], $0xF7A  }
0x26: {  	[smem:$0x3F9D] =	sst s1;
	(tag) =	ssettag s2;
	_ =	strace s9  }
0x27: {  	s1 =	sld [smem:$0x3FAD]  }
0x28: {  	s2 =	sld [smem:$0x3FAE]  }
0x29: {  	s4 =	sld [smem:$0x3FB0]  }
0x2a: {  	p0 =	seq.s32 s5, $0x0;
	s5 =	sld [smem:$0x3FB1]  }
0x2b: {  	s6 =	sld [smem:$0x3FB2]  }
0x2c: {  	s7 =	sld [smem:$0x3FB3]  }
0x2d: {  	s3 =	simm.s32 $0x108;
	s8 =	sld [smem:$0x3FB4]  }
0x2e: {  	s3 =	simm.s32 @!p0 $0x1082;
	s9 =	sld [smem:$0x3FB5]  }
0x2f: {  	lr =	sadd.s32 s0, s3;
	s0 =	sld [smem:$0x3FAC]  }
0x30: {  	s3 =	sld [smem:$0x3FAF]  }
0x31: {  	[smem:$0x3FB8] =	sst s10  }
0x32: {  	s10 =	sld [smem:$0x3FB6];
	_ =	sdelay $0x3  }
0x33: {  	p0 =	seq.s32 s10, $0x1;
	s10 =	sld [smem:$0x3FB8];
	_ =	sdelay $0x3  }
0x34: {  	[smem:$0x3FB8] =	sst s10  }
0x35: {  	s10 =	sld [smem:$0x3FB7];
	_ =	sdelay $0x3  }
0x36: {  	p1 =	seq.s32 s10, $0x1;
	s10 =	sld [smem:$0x3FB8];
	_ =	sdelay $0x3  }
0x37: {  	[smem:$0x3FB8] =	sst s10  }
0x38: {  	s10 =	sld [smem:$0x3FB9]  }
0x39: {  	_ = 	snop;
	(pc) =	sbr.ind lr, $3  }
0x3a: {  	_ = 	snop  }
0x3b: {  	_ = 	snop  }
0x3c: {  	p2 =	seq.s32 s10, $0x1;
	s10 =	sld [smem:$0x3FB8]  }
0x3d: {  	_ =	shalt  }
0x3e: {  	_ =	shalt  }
0x3f: {  	_ =	shalt  }
0x40: {  	_ =	shalt  }
0x41: {  	_ =	shalt  }
0x42: {  	_ =	shalt  }
0x43: {  	_ =	shalt  }
0x44: {  	_ =	shalt  }
0x45: {  	_ =	shalt  }
0x46: {  	_ =	shalt  }
0x47: {  	_ =	shalt  }
0x48: {  	_ =	shalt  }
0x49: {  	_ =	shalt  }
0x4a: {  	_ =	shalt  }
0x4b: {  	_ =	shalt  }
0x4c: {  	_ =	shalt  }
0x4d: {  	_ =	shalt  }
0x4e: {  	_ =	shalt  }
0x4f: {  	_ =	shalt  }
0x50: {  	_ =	shalt  }
0x51: {  	_ =	shalt  }
0x52: {  	_ =	shalt  }
0x53: {  	_ =	shalt  }
0x54: {  	_ =	shalt  }
0x55: {  	_ =	shalt  }
0x56: {  	_ =	shalt  }
0x57: {  	_ =	shalt  }
0x58: {  	_ =	shalt  }
0x59: {  	_ =	shalt  }
0x5a: {  	_ =	shalt  }
0x5b: {  	_ =	shalt  }
0x5c: {  	_ =	shalt  }
0x5d: {  	_ =	shalt  }
0x5e: {  	_ =	shalt  }
0x5f: {  	_ =	shalt  }
0x60: {  	_ =	shalt  }
0x61: {  	_ =	shalt  }
0x62: {  	_ =	shalt  }
0x63: {  	_ =	shalt  }
0x64: {  	_ =	shalt  }
0x65: {  	_ =	shalt  }
0x66: {  	_ =	shalt  }
0x67: {  	_ =	shalt  }
0x68: {  	_ =	shalt  }
0x69: {  	_ =	shalt  }
0x6a: {  	_ =	shalt  }
0x6b: {  	_ =	shalt  }
0x6c: {  	_ =	shalt  }
0x6d: {  	_ =	shalt  }
0x6e: {  	_ =	shalt  }
0x6f: {  	_ =	shalt  }
0x70: {  	_ =	shalt  }
0x71: {  	_ =	shalt  }
0x72: {  	_ =	shalt  }
0x73: {  	_ =	shalt  }
0x74: {  	_ =	shalt  }
0x75: {  	_ =	shalt  }
0x76: {  	_ =	shalt  }
0x77: {  	_ =	shalt  }
0x78: {  	_ =	shalt  }
0x79: {  	_ =	shalt  }
0x7a: {  	_ =	shalt  }
0x7b: {  	_ =	shalt  }
0x7c: {  	_ =	shalt  }
0x7d: {  	_ =	shalt  }
0x7e: {  	_ =	shalt  }
0x7f: {  	_ =	shalt  }
0x80: {  	_ =	shalt  }
0x81: {  	_ =	shalt  }
0x82: {  	_ =	shalt  }
0x83: {  	_ =	shalt  }
0x84: {  	_ =	shalt  }
0x85: {  	_ =	shalt  }
0x86: {  	_ =	shalt  }
0x87: {  	_ =	shalt  }
.Lfunc_end0:
.L_simem_size_0:
called_computation.3_lowered:
.L_overlay_start_0:
0x88: {  	s0 =	sld [smem:$0x3FD9]  }
0x89: {  	s1 =	sld [smem:$0x3FFE];
	_ =	sdelay $0x3  }
0x8a: {  	s0 =	sadd.s32 s1, s0  }
0x8b: {  	[smem:$0x3FC4] =	sst s0  }
0x8c: {  	_ = 	snop  }
0x8d: {  	s0 =	sld [smem:$0x3FC8];
	(tm) =	ssettm $0x1  }
0x8e: {  	s16 =	sld [smem:$0x3FFB];
	_ =	sdelay $0x3  }
0x8f: {  	_ =	strace s16  }
0x90: {  	s1 =	sld [smem:$0x3FFC];
	_ =	sdelay $0x3  }
0x91: {  	_ =	strace s1  }
0x92: {  	s1 =	sld [smem:$0x3FFD];
	_ =	sdelay $0x3  }
0x93: {  	_ =	strace s1  }
0x94: {  	_ =	strace $0x8FFFFFFF  }
0x95: {  	s17 =	sld [smem:$0x3FDB];
	_ =	sdelay $0x1  }
0x96: {  	s2 =	simm.s32 $_scs_section_size  }
0x97: {  	s3 =	simm.s32 $_size__tile_overlayer_lowered;
	s4 =	simm.s32 $_tile_overlayer_lowered  }
0x98: {  	s20 =	simm.s32 $0x1BFF;
	s19 =	sshll.u32 s4, $0x1;
	s1 =	sadd.s32 s2, s17  }
0x99: {  	s5 =	simm.s32 $0x0;
	s18 =	sshll.u32 s3, $0x1;
	s3 =	sadd.s32 s19, s1  }
0x9a: {  	[timem:s5], [sflag:s20] =	dma.local [hbm:s3], s18  }
0x9b: {  	_ =	swait.ge [sflag:s20], s18  }
0x9c: {  	s2 =	ssub.s32 $0x0, s18;
	[sflag:s20] =	ssyncset.done $0x0  }
0x9d: {  	[sflag:s20] =	ssyncadd.s32 s2;
	_ =	sdelay $0x1  }
0x9e: {  	s21 =	simm.s32 $0x1B8B  }
0x9f: {  	_ =	swait.ge [sflag:s21], $0x1  }
0xa0: {  	[sflag:s21] =	ssyncset.done $0x0  }
0xa1: {  	s23 =	simm.s32 $0x1B8E;
	s22 =	sld [smem:$0x3FFE];
	[sflag:s21] =	ssyncadd.s32 $0xFFFFFFFF  }
0xa2: {  	s24 =	simm.s32 $execute0_lowered;
	[smem:$0x3FD2] =	sst s23  }
0xa3: {  	s3 =	sshll.u32 s24, $0x1;
	_ =	strace $0x80000046;
	[dreg:$0x1] =	wrdreg $0xFFFFFFFF  }
0xa4: {  	s25 =	simm.s32 $_size_execute0_lowered;
	s1 =	sadd.s32 s1, s3;
	[dreg:$0x0] =	wrdreg $0x0  }
0xa5: {  	s3 =	sshll.u32 s25, $0x1;
	[dreg:$0x2] =	wrdreg s1  }
0xa6: {  	[dreg:$0x3] =	wrdreg s3  }
0xa7: {  	[dreg:$0x4] =	wrdreg $0xC0  }
0xa8: {  	_ =	task [dreg:s5], $0x5FFFF  }
0xa9: {  	[dreg:$0x1] =	wrdreg $0xFFFFFFFF  }
0xaa: {  	[dreg:$0x0] =	wrdreg $0x60  }
0xab: {  	[dreg:$0x2] =	wrdreg s0  }
0xac: {  	[dreg:$0x3] =	wrdreg s22  }
0xad: {  	[dreg:$0x4] =	wrdreg $0x9  }
0xae: {  	_ =	task.clear_ibuf [dreg:s5], $0x5FFFF;
	_ =	strace $0x90000046  }
0xaf: {  	s26 =	simm.s32 $0x9;
	_ =	strace $0x80000048  }
0xb0: {  	_ =	swait.ge [sflag:s26], $0x1  }
0xb1: {  	[sflag:s26] =	ssyncadd.s32 $0xFFFFFFFF  }
0xb2: {  	_ =	strace $0x90000048  }
0xb3: {  	_ =	sfence  }
0xb4: {  	s28 =	sld [smem:$0x0];
	_ =	sdelay $0x1  }
0xb5: {  	s29 =	srdreg.scid  }
0xb6: {  	s30 =	sshll.u32 s29, $0xD;
	s31 =	sshrl.u32 s29, $0x2  }
0xb7: {  	s2 =	sand.u32 $0x4000, s30;
	s1 =	sand.u32 $0x1, s29;
	s0 =	sadd.s32 s31, s28  }
0xb8: {  	s1 =	sor.u32 s2, s1;
	s0 =	sshll.u32 s0, $0x11  }
0xb9: {  	s0 =	sor.u32 s0, s1  }
0xba: {  	s0 =	sadd.s32 $0x8F2B, s0  }
0xbb: {  	[sflag:s0] =	ssyncadd.remote.s32 $0x1  }
0xbc: {  	_ =	sfence.sel $0xFFFF  }
0xbd: {  	[dreg:$0x0] =	wrdreg $0xFFFFFFFF;
	(pc) =	sbr.abs _section_cstart, $3  }
0xbe: {  	[dreg:$0x1] =	wrdreg $0xFFFFFFFF  }
0xbf: {  	_ =	task.clear_ibuf [dreg:s5], $0x2FFFF;
	_ =	strace $0x9FFFFFFF  }
0xc0: {  	(tm) =	ssettm $0x7FFFFFFF  }
0xc1: {  	_ =	shalt  }
tec
execute0_lowered:
.L_overlay_start_1:
0x0: {  	(tag) =	ssettag $0x1  }
0x1: {  	s0 =	stileid.u32  }
0x2: {  	s1 =	smul.u32 $0x4E, s0  }
0x3: {  	s4 =	simm.s32 $0x13C;
	s9 =	rddreg [dreg:$0x1];
	s2 =	smin.u32 s0, $0x2  }
0x4: {  	s6 =	simm.s32 $0x1;
	p0 =	slt.u32 s0, $0x2;
	s1 =	sadd.s32 s2, s1  }
0x5: {  	s7 =	simm.s32 $0x2;
	s4 =	simm.s32 @!p0 $0x138;
	s3 =	sshll.u32 s1, $0x2  }
0x6: {  	s10 =	simm.s32 $0x3;
	s13 =	simm.s32 $0x0;
	s4 =	sadd.s32 s4, s3  }
0x7: {  	s12 =	simm.s32 $0x0;
	s5 =	sadd.s32 $0x2000, s9;
	s4 =	smin.u32 s4, $0x1388  }
.Ltmp0:
0x8: {  	s2 =	rddreg [dreg:$0x0];
	s8 =	ssub.s32 s4, s3;
	(pc) =	sbr.rel .LBB2_1-.Ltmp0, $4  }
0x9: {  	s1 =	rddreg [dreg:$0x2];
	_ =	strace $0x80000047;
	p0 =	sgt.s32 s8, $0x0  }
0xa: {  	s9 =	sadd.s32 $0x2400, s9;
	[sflag:s6] =	ssyncpa.u1 $0x0;
	s8 =	simm.s32 @!p0 $0x0  }
0xb: {  	s11 =	smov.u32 s3;
	[sflag:s7] =	ssyncpa.u1 $0x0;
	s8 =	sshrl.u32 s8, $0x2  }
0xc: {  	vm0 =	vmmov $0xf;
	[sflag:s10] =	ssyncpa.u1 $0x0;
	p0 =	por $0x0, $0x0;
	s10 =	sadd.s32 $0x1, s8  }
.LBB2_6:
0xd: {  	[hbm:s17] =	stream.linear.scatter [tilespmem:s14], [sflag:$0x3], $0x200, $0x38;
	[tilespmem:$0x13C08] =	vst v63  }
.LBB2_7:
0xe: {  	s13 =	sadd.s32 $0x4, s11  }
0xf: {  	s15 =	smov.u32 s3;
	p2 =	slt.s32 s13, s4  }
0x10: {  	s15 =	smov.u32 @p2 s13;
	p2 =	sne.s32 s12, s10  }
.Ltmp1:
0x11: {  	p1 =	slt.u32 s12, $0x2;
	(pc) =	sbr.rel @!p2 .LBB2_8-.Ltmp1, $4  }
0x12: {  	s14 =	simm.s32 @!p1 $0x3  }
0x13: {  	s16 =	sadd.s32 $0x1, s12;
	_ =	swait.ge @!p1 [sflag:s14], $0x9E00  }
0x14: {  	p0 =	por !p0, !p0;
	s13 =	smov.u32 s11;
	[sflag:s14] =	ssyncset.done @!p1 $0x0  }
0x15: {  	s12 =	smov.u32 s16;
	s11 =	smov.u32 s15;
	[sflag:s14] =	ssyncadd.s32 @!p1 $0xFFFF6200  }
.LBB2_1:
0x16: {  	p1 =	sge.u32 s12, s8  }
0x17: {  	s14 =	sxor.u32 @!p1 $0xFFFFFFFF, s12  }
0x18: {  	s31 =	sadd.s32 $0xFFFFFFFF, s12;
	s15 =	sshrl.u32 @!p1 s11, $0x3;
	s14 =	sshll.u32 @!p1 s14, $0x2  }
0x19: {  	s16 =	sand.u32 @!p1 $0x7, s11;
	s15 =	sadd.s32 @!p1 s5, s15;
	s14 =	sand.u32 @!p1 $0x4, s14  }
0x1a: {  	[tilespmem:s14], [sflag:$0x2] =	stream.linear.gather @!p1 [hbm4b:s15+s16], $0x4, $0x38;
	[tilespmem:$0x13C08] =	vst v63  }
0x1b: {  	p1 =	sge.u32 s31, s8  }
.Ltmp2:
0x1c: {  	_ = 	snop;
	(pc) =	sbr.rel @p1 .LBB2_7-.Ltmp2, $1  }
0x1d: {  	_ =	sdelay $0x3  }
0x1e: {  	_ =	swait.ge [sflag:s7], $0x4  }
0x1f: {  	s14 =	sand.u32 $0x1, s12;
	[sflag:s7] =	ssyncset.done $0x0  }
0x20: {  	s14 =	sshll.u32 s14, $0x2;
	[sflag:s7] =	ssyncadd.s32 $0xFFFFFFFC  }
0x21: {  	v0 =	vld.msk [tilespmem:s14+$0x0 ss:$0x1], $0xf;
	_ =	sdelay $0x4  }
0x22: {  	vm1 =	vgt.s32 v0, $0x0  }
0x23: {  	v0 =	vnsel vm1, $0x0, v0  }
0x24: {  	v0 =	vmin.u32 v0, $0x270F  }
0x25: {  	v1 =	vshrl.u32 v0, $0x3  }
0x26: {  	v0 =	vshll.u32 v0, $0x7;
	v1 =	vmul.u32 $0x13C00, v1  }
0x27: {  	s14 =	simm.s32 $0x1;
	v0 =	vand.u32 $0x380, v0  }
0x28: {  	s14 =	simm.s32 @!p0 $0x0;
	v0 =	vor.u32 v0, v1  }
0x29: {  	s14 =	smul.u32 $0x27800, s14;
	v0 =	vshrl.u32 v0, $0x3;
	_ =	sdelay $0x1  }
0x2a: {  	s14 =	sshrl.u32 s14, $0x2  }
0x2b: {  	s14 =	sor.u32 $0x8, s14  }
0x2c: {  	s15 =	simm.s32 $0x800;
	s16 =	sadd.s32 $0x0, s14  }
.LBB2_3:
0x2d: {  	[tilespmem:s16], [sflag:$0x1] =	stream.indirect_vreg.gather [hbm:s2], $0x80, v0, vm0, $0x38;
	[tilespmem:$0x13C08] =	vst v63  }
0x2e: {  	v0 =	vadd.s32 $0x80, v0;
	s16 =	smov.u32 s15;
	p1 =	sne.s32 s15, $0x27000  }
.Ltmp3:
0x2f: {  	s15 =	sadd.s32 $0x800, s15;
	(pc) =	sbr.rel @p1 .LBB2_3-.Ltmp3, $3  }
0x30: {  	_ =	sdelay $0x1  }
0x31: {  	s16 =	sshra.s32 s16, $0x2  }
0x32: {  	s16 =	sadd.s32 s16, s14  }
0x33: {  	_ =	sdelay $0x3  }
0x34: {  	[tilespmem:s16], [sflag:$0x1] =	stream.indirect_vreg.gather [hbm:s2], $0x80, v0, vm0, $0x38;
	[tilespmem:$0x13C08] =	vst v63  }
0x35: {  	s15 =	sshrl.u32 s13, $0x3  }
0x36: {  	s15 =	smul.u32 $0x2780, s15  }
0x37: {  	s31 =	sshll.u32 s13, $0x4  }
0x38: {  	_ =	swait.ge [sflag:s6], $0x9E00;
	s13 =	sand.u32 $0x70, s31;
	s15 =	sadd.s32 s15, s9  }
0x39: {  	s16 =	sadd.s32 $0x200, s14;
	[sflag:s6] =	ssyncset.done $0x0;
	s13 =	sadd.s32 s13, s15  }
0x3a: {  	[sflag:s6] =	ssyncadd.s32 $0xFFFF6200;
	s15 =	simm.s32 $0x80;
	s17 =	sadd.s32 $0x0, s13  }
.LBB2_5:
0x3b: {  	[hbm:s17] =	stream.linear.scatter [tilespmem:s14], [sflag:$0x3], $0x200, $0x38;
	[tilespmem:$0x13C08] =	vst v63  }
0x3c: {  	s17 =	smov.u32 s15;
	s14 =	smov.u32 s16;
	p1 =	sne.s32 s15, $0x2700  }
.Ltmp4:
0x3d: {  	s15 =	sadd.s32 $0x80, s15;
	(pc) =	sbr.rel @p1 .LBB2_5-.Ltmp4, $2  }
0x3e: {  	_ =	sdelay $0x2  }
0x3f: {  	s16 =	sadd.s32 $0x200, s16;
	s17 =	sadd.s32 s17, s13  }
.Ltmp5:
0x40: {  	_ = 	snop;
	(pc) =	sbr.rel .LBB2_6-.Ltmp5, $1  }
0x41: {  	_ =	sdelay $0x3  }
.LBB2_8:
0x42: {  	_ =	sfence.sel $0x180000  }
0x43: {  	s2 =	simm.s32 $0x2;
	[bflag:$0x0] =	sbarrier.arrive $0xFFFF  }
0x44: {  	s30 =	simm.s32 $0x3;
	[sflag:s2] =	ssyncpa.u1 $0x1  }
0x45: {  	s31 =	simm.s32 $0x1;
	[sflag:s30] =	ssyncpa.u1 $0x1  }
0x46: {  	[sflag:s31] =	ssyncpa.u1 $0x1  }
0x47: {  	p0 =	sne.s32 s0, $0x0;
	_ =	strace $0x90000047  }
0x48: {  	s0 =	sadd.s32 @!p0 $0x100000, s1;
	[bflag:$0x2] =	sbarrier.arrive $0xFFFF  }
0x49: {  	[sflag:s0] =	ssyncadd.tile.s32 @!p0 $0x1;
	_ =	shalt  }
.Lfunc_end2:
_tile_overlayer_lowered:
.L_overlay_start_2:
0x4a: {  	(tag) =	ssettag $0x2  }
0x4b: {  	s0 =	rddreg [dreg:$0x0];
	s2 =	stileid.u32  }
0x4c: {  	s1 =	rddreg [dreg:$0x1];
	p0 =	sne.s32 s2, $0x0  }
0x4d: {  	s3 =	rddreg [dreg:$0x2];
	[bflag:$0x3] =	sbarrier.arrive $0xFFFF;
	s2 =	simm.s32 @!p0 $0x1C01  }
0x4e: {  	[timem:s3], [sflag:s2] =	dma.local @!p0 [hbm:s0], s1  }
0x4f: {  	s0 =	simm.s32 @!p0 $0x1  }
0x50: {  	_ =	swait.ge @!p0 [sflag:s0], s1  }
0x51: {  	s1 =	ssub.s32 @!p0 $0x0, s1;
	[sflag:s0] =	ssyncset.done @!p0 $0x0  }
0x52: {  	[sflag:s0] =	ssyncadd.s32 @!p0 s1  }
0x53: {  	[bflag:$0x3] =	sbarrier.arrive $0xFFFF  }
0x54: {  	_ =	shalt  }

// kernel: gather_offload_async_start.2
scs
__scs_entry_jumppad:
0x0: {  	(pc) =	sbr.rel $0x88, $3  }
0x1: {  	(tag) =	ssettag $0x0;
	lr =	simm.s32 $0x1  }
0x2: {  	[smem:$0x3F9D] =	sst lr;
	_ =	strace $0xD0000000  }
0x3: {  	_ = 	snop  }
0x4: {  	_ = 	snop  }
0x5: {  	_ = 	snop  }
0x6: {  	_ = 	snop  }
0x7: {  	_ = 	snop  }
__scs_overlays_trampoline_lowered:
0x8: {  	[smem:$0x3FAC] =	sst s0  }
0x9: {  	[smem:$0x3FAD] =	sst s1  }
0xa: {  	[smem:$0x3FAE] =	sst s2  }
0xb: {  	[smem:$0x3FAF] =	sst s3  }
0xc: {  	[smem:$0x3FB0] =	sst s4  }
0xd: {  	[smem:$0x3FB1] =	sst s5  }
0xe: {  	[smem:$0x3FB2] =	sst s6  }
0xf: {  	[smem:$0x3FB3] =	sst s7  }
0x10: {  	[smem:$0x3FB4] =	sst s8  }
0x11: {  	[smem:$0x3FB5] =	sst s9;
	s0 =	simm.s32 @!p0 $0x0  }
0x12: {  	s1 =	sld [smem:$0x3F9B];
	s0 =	simm.s32 @p0 $0x1  }
0x13: {  	[smem:$0x3FB6] =	sst s0;
	s0 =	simm.s32 @!p1 $0x0  }
0x14: {  	s2 =	sld [smem:$0x3F9A];
	s0 =	simm.s32 @p1 $0x1  }
0x15: {  	[smem:$0x3FB7] =	sst s0;
	s0 =	simm.s32 @!p2 $0x0  }
0x16: {  	s3 =	sld [smem:$0x3FDB];
	s0 =	simm.s32 @p2 $0x1  }
0x17: {  	s4 =	simm.s32 $0x1BF5;
	[smem:$0x3FB9] =	sst s0  }
0x18: {  	s0 =	sld [smem:$0x3F9C];
	_ =	swait.ge [sflag:s4], $0x0  }
0x19: {  	s7 =	sld [smem:$0x3F9D]  }
0x1a: {  	s8 =	sadd.s32 $0xFFFFE003, lr  }
0x1b: {  	s9 =	sadd.s32 $0xFFFFFEF7, lr;
	s5 =	simm.s32 $0xFFFFFFFF;
	p2 =	slt.u32 s8, $0xFFFFF086  }
0x1c: {  	p1 =	slt.u32 s9, $0xF7A;
	s5 =	simm.s32 @!p2 $0x0  }
0x1d: {  	s5 =	simm.s32 @p1 $0x1;
	p0 =	seq.s32 s7, s2  }
0x1e: {  	s7 =	smul.u32 @!p0 $0xF7A, s2;
	p2 =	seq.s32 @!p0 s5, $0x0  }
0x1f: {  	s9 =	smul.u32 $0xF7A, s1;
	s8 =	simm.s32 @!p0 $0x1BF5;
	p2 =	por !p2, p0  }
0x20: {  	[sflag:s8] =	ssyncset.s32 @!p0 $0xFFFFF086;
	s6 =	sadd.s32 @!p0 s3, s7;
	s7 =	simm.s32 @!p0 $0x108  }
0x21: {  	s3 =	sadd.s32 s3, s9;
	s6 =	sadd.s32 @!p0 $0x88, s6;
	s7 =	simm.s32 @p2 $0x1082  }
0x22: {  	[simem:s7], [sflag:s8] =	dma.local @!p0 [hbm:s6], $0xF7A  }
0x23: {  	s9 =	sor.u32 $0xD0000000, s2;
	s6 =	simm.s32 $0x108;
	_ =	swait.ge @!p0 [sflag:s8], $0x0  }
0x24: {  	s3 =	sadd.s32 $0x88, s3;
	s6 =	simm.s32 @!p1 $0x1082;
	[sflag:s4] =	ssyncset.s32 $0xFFFFF086  }
0x25: {  	[simem:s6], [sflag:s4] =	dma.local [hbm:s3], $0xF7A  }
0x26: {  	[smem:$0x3F9D] =	sst s1;
	(tag) =	ssettag s2;
	_ =	strace s9  }
0x27: {  	s1 =	sld [smem:$0x3FAD]  }
0x28: {  	s2 =	sld [smem:$0x3FAE]  }
0x29: {  	s4 =	sld [smem:$0x3FB0]  }
0x2a: {  	p0 =	seq.s32 s5, $0x0;
	s5 =	sld [smem:$0x3FB1]  }
0x2b: {  	s6 =	sld [smem:$0x3FB2]  }
0x2c: {  	s7 =	sld [smem:$0x3FB3]  }
0x2d: {  	s3 =	simm.s32 $0x108;
	s8 =	sld [smem:$0x3FB4]  }
0x2e: {  	s3 =	simm.s32 @!p0 $0x1082;
	s9 =	sld [smem:$0x3FB5]  }
0x2f: {  	lr =	sadd.s32 s0, s3;
	s0 =	sld [smem:$0x3FAC]  }
0x30: {  	s3 =	sld [smem:$0x3FAF]  }
0x31: {  	[smem:$0x3FB8] =	sst s10  }
0x32: {  	s10 =	sld [smem:$0x3FB6];
	_ =	sdelay $0x3  }
0x33: {  	p0 =	seq.s32 s10, $0x1;
	s10 =	sld [smem:$0x3FB8];
	_ =	sdelay $0x3  }
0x34: {  	[smem:$0x3FB8] =	sst s10  }
0x35: {  	s10 =	sld [smem:$0x3FB7];
	_ =	sdelay $0x3  }
0x36: {  	p1 =	seq.s32 s10, $0x1;
	s10 =	sld [smem:$0x3FB8];
	_ =	sdelay $0x3  }
0x37: {  	[smem:$0x3FB8] =	sst s10  }
0x38: {  	s10 =	sld [smem:$0x3FB9]  }
0x39: {  	_ = 	snop;
	(pc) =	sbr.ind lr, $3  }
0x3a: {  	_ = 	snop  }
0x3b: {  	_ = 	snop  }
0x3c: {  	p2 =	seq.s32 s10, $0x1;
	s10 =	sld [smem:$0x3FB8]  }
0x3d: {  	_ =	shalt  }
0x3e: {  	_ =	shalt  }
0x3f: {  	_ =	shalt  }
0x40: {  	_ =	shalt  }
0x41: {  	_ =	shalt  }
0x42: {  	_ =	shalt  }
0x43: {  	_ =	shalt  }
0x44: {  	_ =	shalt  }
0x45: {  	_ =	shalt  }
0x46: {  	_ =	shalt  }
0x47: {  	_ =	shalt  }
0x48: {  	_ =	shalt  }
0x49: {  	_ =	shalt  }
0x4a: {  	_ =	shalt  }
0x4b: {  	_ =	shalt  }
0x4c: {  	_ =	shalt  }
0x4d: {  	_ =	shalt  }
0x4e: {  	_ =	shalt  }
0x4f: {  	_ =	shalt  }
0x50: {  	_ =	shalt  }
0x51: {  	_ =	shalt  }
0x52: {  	_ =	shalt  }
0x53: {  	_ =	shalt  }
0x54: {  	_ =	shalt  }
0x55: {  	_ =	shalt  }
0x56: {  	_ =	shalt  }
0x57: {  	_ =	shalt  }
0x58: {  	_ =	shalt  }
0x59: {  	_ =	shalt  }
0x5a: {  	_ =	shalt  }
0x5b: {  	_ =	shalt  }
0x5c: {  	_ =	shalt  }
0x5d: {  	_ =	shalt  }
0x5e: {  	_ =	shalt  }
0x5f: {  	_ =	shalt  }
0x60: {  	_ =	shalt  }
0x61: {  	_ =	shalt  }
0x62: {  	_ =	shalt  }
0x63: {  	_ =	shalt  }
0x64: {  	_ =	shalt  }
0x65: {  	_ =	shalt  }
0x66: {  	_ =	shalt  }
0x67: {  	_ =	shalt  }
0x68: {  	_ =	shalt  }
0x69: {  	_ =	shalt  }
0x6a: {  	_ =	shalt  }
0x6b: {  	_ =	shalt  }
0x6c: {  	_ =	shalt  }
0x6d: {  	_ =	shalt  }
0x6e: {  	_ =	shalt  }
0x6f: {  	_ =	shalt  }
0x70: {  	_ =	shalt  }
0x71: {  	_ =	shalt  }
0x72: {  	_ =	shalt  }
0x73: {  	_ =	shalt  }
0x74: {  	_ =	shalt  }
0x75: {  	_ =	shalt  }
0x76: {  	_ =	shalt  }
0x77: {  	_ =	shalt  }
0x78: {  	_ =	shalt  }
0x79: {  	_ =	shalt  }
0x7a: {  	_ =	shalt  }
0x7b: {  	_ =	shalt  }
0x7c: {  	_ =	shalt  }
0x7d: {  	_ =	shalt  }
0x7e: {  	_ =	shalt  }
0x7f: {  	_ =	shalt  }
0x80: {  	_ =	shalt  }
0x81: {  	_ =	shalt  }
0x82: {  	_ =	shalt  }
0x83: {  	_ =	shalt  }
0x84: {  	_ =	shalt  }
0x85: {  	_ =	shalt  }
0x86: {  	_ =	shalt  }
0x87: {  	_ =	shalt  }
.Lfunc_end0:
.L_simem_size_0:
called_computation.4_lowered:
.L_overlay_start_0:
0x88: {  	s0 =	sld [smem:$0x3FD9]  }
0x89: {  	s1 =	sld [smem:$0x3FFE];
	_ =	sdelay $0x3  }
0x8a: {  	s0 =	sadd.s32 s1, s0  }
0x8b: {  	[smem:$0x3FC4] =	sst s0  }
0x8c: {  	_ = 	snop  }
0x8d: {  	s0 =	sld [smem:$0x3FD0];
	_ =	sdelay $0x2  }
0x8e: {  	s13 =	simm.s32 $0xB;
	s2 =	simm.s32 $0x10  }
0x8f: {  	[smem:s2], [sflag:s13] =	dma.local [hbm:s0], $0x1  }
0x90: {  	_ =	swait.eq [sflag:s13], $0x1  }
0x91: {  	[sflag:s13] =	ssyncset.done $0x0  }
0x92: {  	[sflag:s13] =	ssyncadd.s32 $0xFFFFFFFF  }
0x93: {  	s14 =	sld [smem:$0x11];
	(tm) =	ssettm $0x1  }
0x94: {  	s15 =	sld [smem:$0x3FFB];
	_ =	sdelay $0x3  }
0x95: {  	_ =	strace s15  }
0x96: {  	s1 =	sld [smem:$0x3FFC];
	_ =	sdelay $0x3  }
0x97: {  	_ =	strace s1  }
0x98: {  	s1 =	sld [smem:$0x3FFD];
	_ =	sdelay $0x3  }
0x99: {  	_ =	strace s1  }
0x9a: {  	_ =	strace $0x8FFFFFFF  }
0x9b: {  	s16 =	sld [smem:$0x3FDB];
	_ =	sdelay $0x1  }
0x9c: {  	s17 =	simm.s32 $_scs_section_size  }
0x9d: {  	s3 =	simm.s32 $_size__tile_overlayer_lowered;
	s4 =	simm.s32 $_tile_overlayer_lowered  }
0x9e: {  	s20 =	simm.s32 $0x1BFF;
	s19 =	sshll.u32 s4, $0x1;
	s1 =	sadd.s32 s17, s16  }
0x9f: {  	s5 =	simm.s32 $0x0;
	s18 =	sshll.u32 s3, $0x1;
	s3 =	sadd.s32 s19, s1  }
0xa0: {  	[timem:s5], [sflag:s20] =	dma.local [hbm:s3], s18  }
0xa1: {  	_ =	swait.ge [sflag:s20], s18  }
0xa2: {  	s2 =	ssub.s32 $0x0, s18;
	[sflag:s20] =	ssyncset.done $0x0  }
0xa3: {  	[sflag:s20] =	ssyncadd.s32 s2;
	_ =	sdelay $0x1  }
0xa4: {  	s21 =	simm.s32 $0x1B8B  }
0xa5: {  	_ =	swait.ge [sflag:s21], $0x1  }
0xa6: {  	[sflag:s21] =	ssyncset.done $0x0  }
0xa7: {  	s23 =	simm.s32 $0x1B8E;
	s22 =	sld [smem:$0x3FFE];
	[sflag:s21] =	ssyncadd.s32 $0xFFFFFFFF  }
0xa8: {  	s24 =	simm.s32 $execute0_lowered;
	[smem:$0x3FD2] =	sst s23  }
0xa9: {  	s3 =	sshll.u32 s24, $0x1;
	_ =	strace $0x8000004C;
	[dreg:$0x1] =	wrdreg $0xFFFFFFFF  }
0xaa: {  	s25 =	simm.s32 $_size_execute0_lowered;
	s1 =	sadd.s32 s1, s3;
	[dreg:$0x0] =	wrdreg $0x0  }
0xab: {  	s3 =	sshll.u32 s25, $0x1;
	[dreg:$0x2] =	wrdreg s1  }
0xac: {  	[dreg:$0x3] =	wrdreg s3  }
0xad: {  	[dreg:$0x4] =	wrdreg $0xC0  }
0xae: {  	_ =	task [dreg:s5], $0x5FFFF  }
0xaf: {  	[dreg:$0x1] =	wrdreg $0xFFFFFFFF  }
0xb0: {  	[dreg:$0x0] =	wrdreg $0x60  }
0xb1: {  	[dreg:$0x2] =	wrdreg s22  }
0xb2: {  	[dreg:$0x3] =	wrdreg s14  }
0xb3: {  	[dreg:$0x4] =	wrdreg $0xA  }
0xb4: {  	_ =	task.clear_ibuf [dreg:s5], $0x5FFFF;
	_ =	strace $0x9000004C  }
0xb5: {  	s26 =	simm.s32 $0xA;
	_ =	strace $0x8000004E  }
0xb6: {  	_ =	swait.ge [sflag:s26], $0x1  }
0xb7: {  	[sflag:s26] =	ssyncadd.s32 $0xFFFFFFFF  }
0xb8: {  	_ =	strace $0x9000004E  }
0xb9: {  	_ =	sfence  }
0xba: {  	s28 =	sld [smem:$0x0];
	_ =	sdelay $0x1  }
0xbb: {  	s29 =	srdreg.scid  }
0xbc: {  	s30 =	sshll.u32 s29, $0xD;
	s31 =	sshrl.u32 s29, $0x2  }
0xbd: {  	s2 =	sand.u32 $0x4000, s30;
	s1 =	sand.u32 $0x1, s29;
	s0 =	sadd.s32 s31, s28  }
0xbe: {  	s1 =	sor.u32 s2, s1;
	s0 =	sshll.u32 s0, $0x11  }
0xbf: {  	s0 =	sor.u32 s0, s1  }
0xc0: {  	s0 =	sadd.s32 $0x8F2B, s0  }
0xc1: {  	[sflag:s0] =	ssyncadd.remote.s32 $0x1  }
0xc2: {  	_ =	sfence.sel $0xFFFF  }
0xc3: {  	[dreg:$0x0] =	wrdreg $0xFFFFFFFF;
	(pc) =	sbr.abs _section_cstart, $3  }
0xc4: {  	[dreg:$0x1] =	wrdreg $0xFFFFFFFF  }
0xc5: {  	_ =	task.clear_ibuf [dreg:s5], $0x2FFFF;
	_ =	strace $0x9FFFFFFF  }
0xc6: {  	(tm) =	ssettm $0x7FFFFFFF  }
0xc7: {  	_ =	shalt  }
tec
execute0_lowered:
.L_overlay_start_1:
0x0: {  	(tag) =	ssettag $0x1  }
0x1: {  	s0 =	stileid.u32  }
0x2: {  	s1 =	simm.s32 $0x1;
	p0 =	sne.s32 s0, $0x0;
	s2 =	smul.u32 $0x27, s0  }
0x3: {  	s8 =	rddreg [dreg:$0x0];
	s5 =	simm.s32 $0x1;
	s1 =	simm.s32 @!p0 $0x0  }
0x4: {  	p1 =	seq.s32 s0, $0x0;
	s0 =	simm.s32 $0x140;
	s1 =	sadd.s32 s1, s2  }
0x5: {  	s6 =	simm.s32 $0x2;
	s0 =	simm.s32 @!p1 $0x138;
	s1 =	sshll.u32 s1, $0x3  }
0x6: {  	s9 =	simm.s32 $0x3;
	s12 =	simm.s32 $0x0;
	s3 =	sadd.s32 s0, s1  }
0x7: {  	s11 =	simm.s32 $0x0;
	s4 =	sadd.s32 $0xC10600, s8;
	s3 =	smin.u32 s3, $0x1388  }
.Ltmp0:
0x8: {  	s2 =	rddreg [dreg:$0x1];
	s7 =	ssub.s32 s3, s1;
	(pc) =	sbr.rel .LBB2_1-.Ltmp0, $4  }
0x9: {  	s0 =	rddreg [dreg:$0x2];
	_ =	strace $0x8000004D;
	p1 =	sgt.s32 s7, $0x0  }
0xa: {  	s8 =	sadd.s32 $0x2000, s8;
	[sflag:s5] =	ssyncpa.u1 $0x0;
	s7 =	simm.s32 @!p1 $0x0  }
0xb: {  	s10 =	smov.u32 s1;
	[sflag:s6] =	ssyncpa.u1 $0x0;
	s7 =	sshrl.u32 s7, $0x3  }
0xc: {  	vm0 =	vmmov $0xff;
	[sflag:s9] =	ssyncpa.u1 $0x0;
	p1 =	por $0x0, $0x0;
	s9 =	sadd.s32 $0x1, s7  }
.LBB2_4:
0xd: {  	_ =	sdelay $0x3  }
0xe: {  	[tilespmem:s16], [sflag:$0x1] =	stream.indirect_vreg.gather [hbm:s4], $0x80, v0, vm0, $0x38;
	[tilespmem:$0x14010] =	vst v63  }
0xf: {  	s14 =	sshrl.u32 s12, $0x3;
	s31 =	sshll.u32 s12, $0x4  }
0x10: {  	_ =	swait.ge [sflag:s5], $0xA000;
	s14 =	smul.u32 $0x1400, s14;
	s12 =	sand.u32 $0x70, s31  }
0x11: {  	[sflag:s5] =	ssyncset.done $0x0;
	s12 =	sadd.s32 s2, s12  }
0x12: {  	[sflag:s5] =	ssyncadd.s32 $0xFFFF6000;
	s12 =	sadd.s32 s14, s12  }
0x13: {  	[hbm:s12] =	stream.linear.scatter [tilespmem:s13], [sflag:$0x3], $0xA000, $0x38;
	[tilespmem:$0x14010] =	vst v63  }
.LBB2_5:
0x14: {  	s12 =	sadd.s32 $0x8, s10  }
0x15: {  	s14 =	smov.u32 s1;
	p3 =	slt.s32 s12, s3  }
0x16: {  	s14 =	smov.u32 @p3 s12;
	p3 =	sne.s32 s11, s9  }
.Ltmp1:
0x17: {  	p2 =	slt.u32 s11, $0x2;
	(pc) =	sbr.rel @!p3 .LBB2_6-.Ltmp1, $4  }
0x18: {  	s13 =	simm.s32 @!p2 $0x3  }
0x19: {  	s15 =	sadd.s32 $0x1, s11;
	_ =	swait.ge @!p2 [sflag:s13], $0xA000  }
0x1a: {  	p1 =	por !p1, !p1;
	s12 =	smov.u32 s10;
	[sflag:s13] =	ssyncset.done @!p2 $0x0  }
0x1b: {  	s11 =	smov.u32 s15;
	s10 =	smov.u32 s14;
	[sflag:s13] =	ssyncadd.s32 @!p2 $0xFFFF6000  }
.LBB2_1:
0x1c: {  	p2 =	sge.u32 s11, s7  }
0x1d: {  	s13 =	sxor.u32 @!p2 $0xFFFFFFFF, s11  }
0x1e: {  	s31 =	sadd.s32 $0xFFFFFFFF, s11;
	s14 =	sshrl.u32 @!p2 s10, $0x3;
	s13 =	sshll.u32 @!p2 s13, $0x3  }
0x1f: {  	s15 =	sand.u32 @!p2 $0x7, s10;
	s14 =	sadd.s32 @!p2 s8, s14;
	s13 =	sand.u32 @!p2 $0x8, s13  }
0x20: {  	[tilespmem:s13], [sflag:$0x2] =	stream.linear.gather @!p2 [hbm4b:s14+s15], $0x8, $0x38;
	[tilespmem:$0x14010] =	vst v63  }
0x21: {  	p2 =	sge.u32 s31, s7  }
.Ltmp2:
0x22: {  	_ = 	snop;
	(pc) =	sbr.rel @p2 .LBB2_5-.Ltmp2, $1  }
0x23: {  	_ =	sdelay $0x3  }
0x24: {  	_ =	swait.ge [sflag:s6], $0x8  }
0x25: {  	s13 =	sand.u32 $0x1, s11;
	[sflag:s6] =	ssyncset.done $0x0  }
0x26: {  	s14 =	sshll.u32 s13, $0x3;
	[sflag:s6] =	ssyncadd.s32 $0xFFFFFFF8  }
0x27: {  	v0 =	vld.msk [tilespmem:s14+$0x0 ss:$0x1], $0xff;
	_ =	sdelay $0x4  }
0x28: {  	vm1 =	vgt.s32 v0, $0x0  }
0x29: {  	v0 =	vnsel vm1, $0x0, v0  }
0x2a: {  	v0 =	vmin.u32 v0, $0x270F  }
0x2b: {  	v1 =	vshrl.u32 v0, $0x3  }
0x2c: {  	v0 =	vshll.u32 v0, $0x7;
	v1 =	vmul.u32 $0xA000, v1  }
0x2d: {  	s14 =	simm.s32 $0x1;
	v0 =	vand.u32 $0x380, v0  }
0x2e: {  	s14 =	simm.s32 @!p1 $0x0;
	v0 =	vor.u32 v0, v1  }
0x2f: {  	s14 =	smul.u32 $0x28000, s14;
	v0 =	vshrl.u32 v0, $0x3  }
0x30: {  	s13 =	smul.u32 $0x28000, s13  }
0x31: {  	s14 =	sshrl.u32 s14, $0x2  }
0x32: {  	s13 =	sshrl.u32 s13, $0x2;
	s14 =	sor.u32 $0x10, s14  }
0x33: {  	s15 =	simm.s32 $0x1000;
	s13 =	sor.u32 $0x10, s13;
	s16 =	sadd.s32 $0x0, s14  }
.LBB2_3:
0x34: {  	[tilespmem:s16], [sflag:$0x1] =	stream.indirect_vreg.gather [hbm:s4], $0x80, v0, vm0, $0x38;
	[tilespmem:$0x14010] =	vst v63  }
0x35: {  	v0 =	vadd.s32 $0x80, v0;
	s16 =	smov.u32 s15;
	p2 =	sne.s32 s15, $0x27000  }
.Ltmp3:
0x36: {  	s15 =	sadd.s32 $0x1000, s15;
	(pc) =	sbr.rel @p2 .LBB2_3-.Ltmp3, $3  }
0x37: {  	_ =	sdelay $0x1  }
0x38: {  	s16 =	sshra.s32 s16, $0x2  }
0x39: {  	s16 =	sadd.s32 s16, s14  }
.Ltmp4:
0x3a: {  	_ = 	snop;
	(pc) =	sbr.rel .LBB2_4-.Ltmp4, $1  }
0x3b: {  	_ =	sdelay $0x3  }
.LBB2_6:
0x3c: {  	_ =	sfence.sel $0x180000  }
0x3d: {  	s1 =	simm.s32 $0x2;
	[bflag:$0x0] =	sbarrier.arrive $0xFFFF  }
0x3e: {  	s30 =	simm.s32 $0x3;
	[sflag:s1] =	ssyncpa.u1 $0x1  }
0x3f: {  	s31 =	simm.s32 $0x1;
	[sflag:s30] =	ssyncpa.u1 $0x1  }
0x40: {  	[sflag:s31] =	ssyncpa.u1 $0x1  }
0x41: {  	_ =	strace $0x9000004D  }
0x42: {  	s0 =	sadd.s32 @!p0 $0x100000, s0;
	[bflag:$0x2] =	sbarrier.arrive $0xFFFF  }
0x43: {  	[sflag:s0] =	ssyncadd.tile.s32 @!p0 $0x1;
	_ =	shalt  }
.Lfunc_end2:
_tile_overlayer_lowered:
.L_overlay_start_2:
0x44: {  	(tag) =	ssettag $0x2  }
0x45: {  	s0 =	rddreg [dreg:$0x0];
	s2 =	stileid.u32  }
0x46: {  	s1 =	rddreg [dreg:$0x1];
	p0 =	sne.s32 s2, $0x0  }
0x47: {  	s3 =	rddreg [dreg:$0x2];
	[bflag:$0x3] =	sbarrier.arrive $0xFFFF;
	s2 =	simm.s32 @!p0 $0x1C01  }
0x48: {  	[timem:s3], [sflag:s2] =	dma.local @!p0 [hbm:s0], s1  }
0x49: {  	s0 =	simm.s32 @!p0 $0x1  }
0x4a: {  	_ =	swait.ge @!p0 [sflag:s0], s1  }
0x4b: {  	s1 =	ssub.s32 @!p0 $0x0, s1;
	[sflag:s0] =	ssyncset.done @!p0 $0x0  }
0x4c: {  	[sflag:s0] =	ssyncadd.s32 @!p0 s1  }
0x4d: {  	[bflag:$0x3] =	sbarrier.arrive $0xFFFF  }
0x4e: {  	_ =	shalt  }

// kernel: gather_offload_async_start
scs
__scs_entry_jumppad:
0x0: {  	(pc) =	sbr.rel $0x88, $3  }
0x1: {  	(tag) =	ssettag $0x0;
	lr =	simm.s32 $0x1  }
0x2: {  	[smem:$0x3F9D] =	sst lr;
	_ =	strace $0xD0000000  }
0x3: {  	_ = 	snop  }
0x4: {  	_ = 	snop  }
0x5: {  	_ = 	snop  }
0x6: {  	_ = 	snop  }
0x7: {  	_ = 	snop  }
__scs_overlays_trampoline_lowered:
0x8: {  	[smem:$0x3FAC] =	sst s0  }
0x9: {  	[smem:$0x3FAD] =	sst s1  }
0xa: {  	[smem:$0x3FAE] =	sst s2  }
0xb: {  	[smem:$0x3FAF] =	sst s3  }
0xc: {  	[smem:$0x3FB0] =	sst s4  }
0xd: {  	[smem:$0x3FB1] =	sst s5  }
0xe: {  	[smem:$0x3FB2] =	sst s6  }
0xf: {  	[smem:$0x3FB3] =	sst s7  }
0x10: {  	[smem:$0x3FB4] =	sst s8  }
0x11: {  	[smem:$0x3FB5] =	sst s9;
	s0 =	simm.s32 @!p0 $0x0  }
0x12: {  	s1 =	sld [smem:$0x3F9B];
	s0 =	simm.s32 @p0 $0x1  }
0x13: {  	[smem:$0x3FB6] =	sst s0;
	s0 =	simm.s32 @!p1 $0x0  }
0x14: {  	s2 =	sld [smem:$0x3F9A];
	s0 =	simm.s32 @p1 $0x1  }
0x15: {  	[smem:$0x3FB7] =	sst s0;
	s0 =	simm.s32 @!p2 $0x0  }
0x16: {  	s3 =	sld [smem:$0x3FDB];
	s0 =	simm.s32 @p2 $0x1  }
0x17: {  	s4 =	simm.s32 $0x1BF5;
	[smem:$0x3FB9] =	sst s0  }
0x18: {  	s0 =	sld [smem:$0x3F9C];
	_ =	swait.ge [sflag:s4], $0x0  }
0x19: {  	s7 =	sld [smem:$0x3F9D]  }
0x1a: {  	s8 =	sadd.s32 $0xFFFFE003, lr  }
0x1b: {  	s9 =	sadd.s32 $0xFFFFFEF7, lr;
	s5 =	simm.s32 $0xFFFFFFFF;
	p2 =	slt.u32 s8, $0xFFFFF086  }
0x1c: {  	p1 =	slt.u32 s9, $0xF7A;
	s5 =	simm.s32 @!p2 $0x0  }
0x1d: {  	s5 =	simm.s32 @p1 $0x1;
	p0 =	seq.s32 s7, s2  }
0x1e: {  	s7 =	smul.u32 @!p0 $0xF7A, s2;
	p2 =	seq.s32 @!p0 s5, $0x0  }
0x1f: {  	s9 =	smul.u32 $0xF7A, s1;
	s8 =	simm.s32 @!p0 $0x1BF5;
	p2 =	por !p2, p0  }
0x20: {  	[sflag:s8] =	ssyncset.s32 @!p0 $0xFFFFF086;
	s6 =	sadd.s32 @!p0 s3, s7;
	s7 =	simm.s32 @!p0 $0x108  }
0x21: {  	s3 =	sadd.s32 s3, s9;
	s6 =	sadd.s32 @!p0 $0x88, s6;
	s7 =	simm.s32 @p2 $0x1082  }
0x22: {  	[simem:s7], [sflag:s8] =	dma.local @!p0 [hbm:s6], $0xF7A  }
0x23: {  	s9 =	sor.u32 $0xD0000000, s2;
	s6 =	simm.s32 $0x108;
	_ =	swait.ge @!p0 [sflag:s8], $0x0  }
0x24: {  	s3 =	sadd.s32 $0x88, s3;
	s6 =	simm.s32 @!p1 $0x1082;
	[sflag:s4] =	ssyncset.s32 $0xFFFFF086  }
0x25: {  	[simem:s6], [sflag:s4] =	dma.local [hbm:s3], $0xF7A  }
0x26: {  	[smem:$0x3F9D] =	sst s1;
	(tag) =	ssettag s2;
	_ =	strace s9  }
0x27: {  	s1 =	sld [smem:$0x3FAD]  }
0x28: {  	s2 =	sld [smem:$0x3FAE]  }
0x29: {  	s4 =	sld [smem:$0x3FB0]  }
0x2a: {  	p0 =	seq.s32 s5, $0x0;
	s5 =	sld [smem:$0x3FB1]  }
0x2b: {  	s6 =	sld [smem:$0x3FB2]  }
0x2c: {  	s7 =	sld [smem:$0x3FB3]  }
0x2d: {  	s3 =	simm.s32 $0x108;
	s8 =	sld [smem:$0x3FB4]  }
0x2e: {  	s3 =	simm.s32 @!p0 $0x1082;
	s9 =	sld [smem:$0x3FB5]  }
0x2f: {  	lr =	sadd.s32 s0, s3;
	s0 =	sld [smem:$0x3FAC]  }
0x30: {  	s3 =	sld [smem:$0x3FAF]  }
0x31: {  	[smem:$0x3FB8] =	sst s10  }
0x32: {  	s10 =	sld [smem:$0x3FB6];
	_ =	sdelay $0x3  }
0x33: {  	p0 =	seq.s32 s10, $0x1;
	s10 =	sld [smem:$0x3FB8];
	_ =	sdelay $0x3  }
0x34: {  	[smem:$0x3FB8] =	sst s10  }
0x35: {  	s10 =	sld [smem:$0x3FB7];
	_ =	sdelay $0x3  }
0x36: {  	p1 =	seq.s32 s10, $0x1;
	s10 =	sld [smem:$0x3FB8];
	_ =	sdelay $0x3  }
0x37: {  	[smem:$0x3FB8] =	sst s10  }
0x38: {  	s10 =	sld [smem:$0x3FB9]  }
0x39: {  	_ = 	snop;
	(pc) =	sbr.ind lr, $3  }
0x3a: {  	_ = 	snop  }
0x3b: {  	_ = 	snop  }
0x3c: {  	p2 =	seq.s32 s10, $0x1;
	s10 =	sld [smem:$0x3FB8]  }
0x3d: {  	_ =	shalt  }
0x3e: {  	_ =	shalt  }
0x3f: {  	_ =	shalt  }
0x40: {  	_ =	shalt  }
0x41: {  	_ =	shalt  }
0x42: {  	_ =	shalt  }
0x43: {  	_ =	shalt  }
0x44: {  	_ =	shalt  }
0x45: {  	_ =	shalt  }
0x46: {  	_ =	shalt  }
0x47: {  	_ =	shalt  }
0x48: {  	_ =	shalt  }
0x49: {  	_ =	shalt  }
0x4a: {  	_ =	shalt  }
0x4b: {  	_ =	shalt  }
0x4c: {  	_ =	shalt  }
0x4d: {  	_ =	shalt  }
0x4e: {  	_ =	shalt  }
0x4f: {  	_ =	shalt  }
0x50: {  	_ =	shalt  }
0x51: {  	_ =	shalt  }
0x52: {  	_ =	shalt  }
0x53: {  	_ =	shalt  }
0x54: {  	_ =	shalt  }
0x55: {  	_ =	shalt  }
0x56: {  	_ =	shalt  }
0x57: {  	_ =	shalt  }
0x58: {  	_ =	shalt  }
0x59: {  	_ =	shalt  }
0x5a: {  	_ =	shalt  }
0x5b: {  	_ =	shalt  }
0x5c: {  	_ =	shalt  }
0x5d: {  	_ =	shalt  }
0x5e: {  	_ =	shalt  }
0x5f: {  	_ =	shalt  }
0x60: {  	_ =	shalt  }
0x61: {  	_ =	shalt  }
0x62: {  	_ =	shalt  }
0x63: {  	_ =	shalt  }
0x64: {  	_ =	shalt  }
0x65: {  	_ =	shalt  }
0x66: {  	_ =	shalt  }
0x67: {  	_ =	shalt  }
0x68: {  	_ =	shalt  }
0x69: {  	_ =	shalt  }
0x6a: {  	_ =	shalt  }
0x6b: {  	_ =	shalt  }
0x6c: {  	_ =	shalt  }
0x6d: {  	_ =	shalt  }
0x6e: {  	_ =	shalt  }
0x6f: {  	_ =	shalt  }
0x70: {  	_ =	shalt  }
0x71: {  	_ =	shalt  }
0x72: {  	_ =	shalt  }
0x73: {  	_ =	shalt  }
0x74: {  	_ =	shalt  }
0x75: {  	_ =	shalt  }
0x76: {  	_ =	shalt  }
0x77: {  	_ =	shalt  }
0x78: {  	_ =	shalt  }
0x79: {  	_ =	shalt  }
0x7a: {  	_ =	shalt  }
0x7b: {  	_ =	shalt  }
0x7c: {  	_ =	shalt  }
0x7d: {  	_ =	shalt  }
0x7e: {  	_ =	shalt  }
0x7f: {  	_ =	shalt  }
0x80: {  	_ =	shalt  }
0x81: {  	_ =	shalt  }
0x82: {  	_ =	shalt  }
0x83: {  	_ =	shalt  }
0x84: {  	_ =	shalt  }
0x85: {  	_ =	shalt  }
0x86: {  	_ =	shalt  }
0x87: {  	_ =	shalt  }
.Lfunc_end0:
.L_simem_size_0:
called_computation.2_lowered:
.L_overlay_start_0:
0x88: {  	s0 =	sld [smem:$0x3FD9]  }
0x89: {  	s1 =	sld [smem:$0x3FFE];
	_ =	sdelay $0x3  }
0x8a: {  	s0 =	sadd.s32 s1, s0  }
0x8b: {  	[smem:$0x3FC4] =	sst s0  }
0x8c: {  	_ = 	snop  }
0x8d: {  	s0 =	sld [smem:$0x3FD0];
	_ =	sdelay $0x2  }
0x8e: {  	s2 =	simm.s32 $0xB;
	s3 =	simm.s32 $0x10;
	s13 =	sld [smem:$0x3FC9]  }
0x8f: {  	[smem:s3], [sflag:s2] =	dma.local [hbm:s0], $0x1  }
0x90: {  	_ =	swait.eq [sflag:s2], $0x1  }
0x91: {  	[sflag:s2] =	ssyncset.done $0x0  }
0x92: {  	[sflag:s2] =	ssyncadd.s32 $0xFFFFFFFF  }
0x93: {  	s14 =	sld [smem:$0x10];
	(tm) =	ssettm $0x1  }
0x94: {  	s15 =	sld [smem:$0x3FFB];
	_ =	sdelay $0x3  }
0x95: {  	_ =	strace s15  }
0x96: {  	s2 =	sld [smem:$0x3FFC];
	_ =	sdelay $0x3  }
0x97: {  	_ =	strace s2  }
0x98: {  	s2 =	sld [smem:$0x3FFD];
	_ =	sdelay $0x3  }
0x99: {  	_ =	strace s2  }
0x9a: {  	_ =	strace $0x8FFFFFFF  }
0x9b: {  	s16 =	sld [smem:$0x3FDB];
	_ =	sdelay $0x1  }
0x9c: {  	s17 =	simm.s32 $_scs_section_size  }
0x9d: {  	s4 =	simm.s32 $_size__tile_overlayer_lowered;
	s5 =	simm.s32 $_tile_overlayer_lowered  }
0x9e: {  	s20 =	simm.s32 $0x1BFF;
	s19 =	sshll.u32 s5, $0x1;
	s2 =	sadd.s32 s17, s16  }
0x9f: {  	s6 =	simm.s32 $0x0;
	s18 =	sshll.u32 s4, $0x1;
	s4 =	sadd.s32 s19, s2  }
0xa0: {  	[timem:s6], [sflag:s20] =	dma.local [hbm:s4], s18  }
0xa1: {  	_ =	swait.ge [sflag:s20], s18  }
0xa2: {  	s3 =	ssub.s32 $0x0, s18;
	[sflag:s20] =	ssyncset.done $0x0  }
0xa3: {  	[sflag:s20] =	ssyncadd.s32 s3;
	_ =	sdelay $0x1  }
0xa4: {  	s21 =	simm.s32 $0x1B8B  }
0xa5: {  	_ =	swait.ge [sflag:s21], $0x1  }
0xa6: {  	[sflag:s21] =	ssyncset.done $0x0  }
0xa7: {  	s23 =	simm.s32 $0x1B8E;
	s22 =	sld [smem:$0x3FFE];
	[sflag:s21] =	ssyncadd.s32 $0xFFFFFFFF  }
0xa8: {  	s24 =	simm.s32 $execute0_lowered;
	[smem:$0x3FD2] =	sst s23  }
0xa9: {  	s4 =	sshll.u32 s24, $0x1;
	_ =	strace $0x8000004F;
	[dreg:$0x1] =	wrdreg $0xFFFFFFFF  }
0xaa: {  	s25 =	simm.s32 $_size_execute0_lowered;
	s2 =	sadd.s32 s2, s4;
	[dreg:$0x0] =	wrdreg $0x0  }
0xab: {  	s4 =	sshll.u32 s25, $0x1;
	[dreg:$0x2] =	wrdreg s2  }
0xac: {  	[dreg:$0x3] =	wrdreg s4  }
0xad: {  	[dreg:$0x4] =	wrdreg $0xC0  }
0xae: {  	_ =	task [dreg:s6], $0x5FFFF  }
0xaf: {  	[dreg:$0x1] =	wrdreg $0xFFFFFFFF  }
0xb0: {  	[dreg:$0x0] =	wrdreg $0x60  }
0xb1: {  	[dreg:$0x2] =	wrdreg s13  }
0xb2: {  	[dreg:$0x3] =	wrdreg s22  }
0xb3: {  	[dreg:$0x4] =	wrdreg s14  }
0xb4: {  	[dreg:$0x5] =	wrdreg $0x9  }
0xb5: {  	_ =	task.clear_ibuf [dreg:s6], $0x6FFFF;
	_ =	strace $0x9000004F  }
0xb6: {  	s26 =	simm.s32 $0x9;
	_ =	strace $0x80000051  }
0xb7: {  	_ =	swait.ge [sflag:s26], $0x1  }
0xb8: {  	[sflag:s26] =	ssyncadd.s32 $0xFFFFFFFF  }
0xb9: {  	_ =	strace $0x90000051  }
0xba: {  	_ =	sfence  }
0xbb: {  	s28 =	sld [smem:$0x0];
	_ =	sdelay $0x1  }
0xbc: {  	s29 =	srdreg.scid  }
0xbd: {  	s30 =	sshll.u32 s29, $0xD;
	s31 =	sshrl.u32 s29, $0x2  }
0xbe: {  	s1 =	sand.u32 $0x1, s29;
	s2 =	sand.u32 $0x4000, s30;
	s0 =	sadd.s32 s31, s28  }
0xbf: {  	s1 =	sor.u32 s2, s1;
	s0 =	sshll.u32 s0, $0x11  }
0xc0: {  	s0 =	sor.u32 s0, s1  }
0xc1: {  	s0 =	sadd.s32 $0x8F2B, s0  }
0xc2: {  	[sflag:s0] =	ssyncadd.remote.s32 $0x1  }
0xc3: {  	_ =	sfence.sel $0xFFFF  }
0xc4: {  	[dreg:$0x0] =	wrdreg $0xFFFFFFFF;
	(pc) =	sbr.abs _section_cstart, $3  }
0xc5: {  	[dreg:$0x1] =	wrdreg $0xFFFFFFFF  }
0xc6: {  	_ =	task.clear_ibuf [dreg:s6], $0x2FFFF;
	_ =	strace $0x9FFFFFFF  }
0xc7: {  	(tm) =	ssettm $0x7FFFFFFF  }
tec
execute0_lowered:
.L_overlay_start_1:
0x0: {  	(tag) =	ssettag $0x1  }
0x1: {  	s0 =	stileid.u32  }
0x2: {  	s1 =	smin.u32 s0, $0x9  }
0x3: {  	s1 =	sadd.s32 s0, s1  }
0x4: {  	s2 =	simm.s32 $0x190;
	p0 =	slt.u32 s0, $0x9;
	s1 =	smul.u32 $0xC8, s1  }
0x5: {  	s2 =	simm.s32 @!p0 $0xC8  }
0x6: {  	s2 =	sadd.s32 s2, s1  }
0x7: {  	s3 =	smin.u32 s2, $0x1388  }
0x8: {  	s7 =	ssub.s32 s3, s1  }
0x9: {  	p0 =	sgt.s32 s7, $0x0  }
0xa: {  	s7 =	simm.s32 @!p0 $0x0  }
0xb: {  	s31 =	sand.u32 $0xFFF8, s7  }
0xc: {  	s4 =	rddreg [dreg:$0x0];
	s2 =	sshrl.u32 s31, $0x3  }
0xd: {  	s9 =	rddreg [dreg:$0x1];
	s2 =	smul.u32 $0x147B, s2  }
0xe: {  	s5 =	rddreg [dreg:$0x2]  }
0xf: {  	s6 =	simm.s32 $0x1;
	s11 =	simm.s32 $0x3;
	s8 =	sshrl.u32 s2, $0x11  }
0x10: {  	s13 =	simm.s32 $0x0;
	s12 =	simm.s32 $0x0;
	s10 =	smul.u32 $0xC8, s8  }
.Ltmp0:
0x11: {  	s9 =	sadd.s32 $0x2000, s9;
	s2 =	rddreg [dreg:$0x3];
	(pc) =	sbr.rel .LBB2_1-.Ltmp0, $4  }
0x12: {  	_ =	strace $0x80000050;
	p0 =	sne.s32 s7, s10;
	s10 =	simm.s32 $0x1  }
0x13: {  	[sflag:s6] =	ssyncpa.u1 $0x0;
	s7 =	simm.s32 $0x2;
	s10 =	simm.s32 @!p0 $0x0  }
0x14: {  	[sflag:s7] =	ssyncpa.u1 $0x0;
	p0 =	por $0x0, $0x0;
	s8 =	sadd.s32 s8, s10  }
0x15: {  	vm0 =	vmmov $0xff;
	vm1 =	vcmask $0x3F20;
	[sflag:s11] =	ssyncpa.u1 $0x0;
	s11 =	smov.u32 s1;
	s10 =	sadd.s32 $0x1, s8  }
.LBB2_6:
0x16: {  	[hbm:s17] =	stream.linear.scatter [tilespmem:s14], [sflag:$0x3], $0x400, $0x38;
	[tilespmem:$0xC990] =	vst v63  }
.LBB2_7:
0x17: {  	s13 =	sadd.s32 $0xC8, s11  }
0x18: {  	s15 =	smov.u32 s1;
	p2 =	slt.s32 s13, s3  }
0x19: {  	s15 =	smov.u32 @p2 s13;
	p2 =	sne.s32 s12, s10  }
.Ltmp1:
0x1a: {  	p1 =	slt.u32 s12, $0x2;
	(pc) =	sbr.rel @!p2 .LBB2_8-.Ltmp1, $4  }
0x1b: {  	s14 =	simm.s32 @!p1 $0x3  }
0x1c: {  	s16 =	sadd.s32 $0x1, s12;
	_ =	swait.ge @!p1 [sflag:s14], $0x6400  }
0x1d: {  	p0 =	por !p0, !p0;
	s13 =	smov.u32 s11;
	[sflag:s14] =	ssyncset.done @!p1 $0x0  }
0x1e: {  	s12 =	smov.u32 s16;
	s11 =	smov.u32 s15;
	[sflag:s14] =	ssyncadd.s32 @!p1 $0xFFFF9C00  }
.LBB2_1:
0x1f: {  	p1 =	sge.u32 s12, s8  }
0x20: {  	s14 =	sxor.u32 @!p1 $0xFFFFFFFF, s12  }
0x21: {  	s14 =	sand.u32 @!p1 $0x1, s14  }
0x22: {  	s14 =	smul.u32 @!p1 $0x320, s14  }
0x23: {  	s31 =	sadd.s32 $0xFFFFFFFF, s12;
	s15 =	sshrl.u32 @!p1 s11, $0x3  }
0x24: {  	s16 =	sand.u32 @!p1 $0x7, s11;
	s15 =	sadd.s32 @!p1 s9, s15;
	s14 =	sshrl.u32 @!p1 s14, $0x2  }
0x25: {  	[tilespmem:s14], [sflag:$0x2] =	stream.linear.gather @!p1 [hbm4b:s15+s16], $0xC8, $0x38;
	[tilespmem:$0xC990] =	vst v63  }
0x26: {  	p1 =	sge.u32 s31, s8  }
.Ltmp2:
0x27: {  	_ = 	snop;
	(pc) =	sbr.rel @p1 .LBB2_7-.Ltmp2, $1  }
0x28: {  	_ =	sdelay $0x3  }
0x29: {  	s14 =	simm.s32 $0x1  }
0x2a: {  	s14 =	simm.s32 @!p0 $0x0  }
0x2b: {  	s15 =	smul.u32 $0x320, s14  }
0x2c: {  	_ =	swait.ge [sflag:s7], $0xC8  }
0x2d: {  	[sflag:s7] =	ssyncset.done $0x0;
	s16 =	sshrl.u32 s15, $0x2  }
0x2e: {  	[sflag:s7] =	ssyncadd.s32 $0xFFFFFF38;
	s15 =	sadd.s32 $0x0, s16  }
0x2f: {  	v0 =	vld.msk [tilespmem:s15+$0x0 ss:$0x1], $0xffff;
	_ =	sdelay $0x4  }
0x30: {  	vm2 =	vgt.s32 v0, $0x0  }
0x31: {  	v0 =	vnsel vm2, $0x0, v0  }
0x32: {  	v0 =	vmin.u32 v0, $0x270F  }
0x33: {  	v0 =	vshll.u32 v0, $0x4  }
0x34: {  	s14 =	smul.u32 $0x19000, s14  }
0x35: {  	s31 =	sand.u32 $0x1, s12  }
0x36: {  	s17 =	smul.u32 $0x320, s31;
	s14 =	sshrl.u32 s14, $0x2  }
0x37: {  	s19 =	smul.u32 $0x19000, s31;
	s14 =	sor.u32 $0x190, s14  }
0x38: {  	[tilespmem:s14], [sflag:$0x1] =	stream.indirect_vreg.gather [hbm:s4], $0x80, v0, vm0, $0x38;
	[tilespmem:$0xC990] =	vst v63  }
0x39: {  	s18 =	sshrl.u32 s17, $0x2;
	s20 =	sadd.s32 $0x10, s16;
	s15 =	sadd.s32 $0x400, s14  }
0x3a: {  	[tilespmem:s15], [sflag:$0x1] =	stream.indirect_vreg.gather [hbm:s4], $0x80, v0, vm1, $0x38;
	[tilespmem:$0xC990] =	vst v63  }
0x3b: {  	s17 =	sshrl.u32 s19, $0x2;
	s19 =	smov.u32 s14;
	v0 =	vld.msk [tilespmem:s20+$0x0 ss:$0x1], $0xffff;
	s20 =	simm.s32 $0x80  }
.LBB2_3:
0x3c: {  	p1 =	sne.s32 s20, $0x2C0;
	_ =	sdelay $0x4  }
0x3d: {  	vm2 =	vgt.s32 v0, $0x0  }
0x3e: {  	v0 =	vnsel vm2, $0x0, v0  }
0x3f: {  	v0 =	vmin.u32 v0, $0x270F  }
0x40: {  	v0 =	vshll.u32 v0, $0x4;
	_ =	sdelay $0x3  }
.Ltmp3:
0x41: {  	s21 =	sshra.s32 s20, $0x2;
	s19 =	sadd.s32 $0x800, s19;
	(pc) =	sbr.rel @p1 .LBB2_3-.Ltmp3, $4  }
0x42: {  	[tilespmem:s19], [sflag:$0x1] =	stream.indirect_vreg.gather [hbm:s4], $0x80, v0, vm0, $0x38;
	[tilespmem:$0xC990] =	vst v63  }
0x43: {  	s21 =	sadd.s32 s21, s16;
	s22 =	sadd.s32 $0x400, s19  }
0x44: {  	[tilespmem:s22], [sflag:$0x1] =	stream.indirect_vreg.gather [hbm:s4], $0x80, v0, vm1, $0x38;
	[tilespmem:$0xC990] =	vst v63  }
0x45: {  	s20 =	sadd.s32 $0x40, s20;
	v0 =	vld.msk [tilespmem:s21+$0x0 ss:$0x1], $0xffff  }
0x46: {  	_ =	sdelay $0x3  }
0x47: {  	vm2 =	vgt.s32 v0, $0x0  }
0x48: {  	v0 =	vnsel vm2, $0x0, v0  }
0x49: {  	v0 =	vmin.u32 v0, $0x270F  }
0x4a: {  	v0 =	vshll.u32 v0, $0x4;
	_ =	sdelay $0x3  }
0x4b: {  	s16 =	sadd.s32 $0x800, s19  }
0x4c: {  	[tilespmem:s16], [sflag:$0x1] =	stream.indirect_vreg.gather [hbm:s4], $0x80, v0, vm0, $0x38;
	[tilespmem:$0xC990] =	vst v63  }
0x4d: {  	s16 =	sadd.s32 $0x400, s16  }
0x4e: {  	[tilespmem:s16], [sflag:$0x1] =	stream.indirect_vreg.gather [hbm:s4], $0x80, v0, vm1, $0x38;
	[tilespmem:$0xC990] =	vst v63  }
0x4f: {  	v0 =	vld.msk [tilespmem:s18+$0xC0 ss:$0x1], $0xff;
	_ =	sdelay $0x4  }
0x50: {  	vm2 =	vgt.s32 v0, $0x0  }
0x51: {  	v0 =	vnsel vm2, $0x0, v0  }
0x52: {  	v0 =	vmin.u32 v0, $0x270F  }
0x53: {  	v0 =	vshll.u32 v0, $0x4;
	_ =	sdelay $0x3  }
0x54: {  	s31 =	sadd.s32 $0x6190, s17  }
0x55: {  	[tilespmem:s31], [sflag:$0x1] =	stream.indirect_vreg.gather [hbm:s4], $0x80, v0, vm0, $0x38;
	[tilespmem:$0xC990] =	vst v63  }
0x56: {  	s13 =	sshll.u32 s13, $0x4;
	_ =	swait.ge [sflag:s6], $0x6400  }
0x57: {  	s13 =	sadd.s32 s13, s5;
	[sflag:s6] =	ssyncset.done $0x0  }
0x58: {  	s17 =	sadd.s32 $0x0, s13;
	s16 =	simm.s32 $0x80;
	[sflag:s6] =	ssyncadd.s32 $0xFFFF9C00  }
.LBB2_5:
0x59: {  	[hbm:s17] =	stream.linear.scatter [tilespmem:s14], [sflag:$0x3], $0x400, $0x38;
	[tilespmem:$0xC990] =	vst v63  }
0x5a: {  	s17 =	smov.u32 s16;
	s14 =	smov.u32 s15;
	p1 =	sne.s32 s16, $0xC00  }
.Ltmp4:
0x5b: {  	s16 =	sadd.s32 $0x80, s16;
	(pc) =	sbr.rel @p1 .LBB2_5-.Ltmp4, $2  }
0x5c: {  	_ =	sdelay $0x2  }
0x5d: {  	s15 =	sadd.s32 $0x400, s15;
	s17 =	sadd.s32 s17, s13  }
.Ltmp5:
0x5e: {  	_ = 	snop;
	(pc) =	sbr.rel .LBB2_6-.Ltmp5, $1  }
0x5f: {  	_ =	sdelay $0x3  }
.LBB2_8:
0x60: {  	_ =	sfence.sel $0x180000  }
0x61: {  	s1 =	simm.s32 $0x2;
	[bflag:$0x0] =	sbarrier.arrive $0xFFFF  }
0x62: {  	s30 =	simm.s32 $0x3;
	[sflag:s1] =	ssyncpa.u1 $0x1  }
0x63: {  	s31 =	simm.s32 $0x1;
	[sflag:s30] =	ssyncpa.u1 $0x1  }
0x64: {  	[sflag:s31] =	ssyncpa.u1 $0x1  }
0x65: {  	p0 =	sne.s32 s0, $0x0;
	_ =	strace $0x90000050  }
0x66: {  	s0 =	sadd.s32 @!p0 $0x100000, s2;
	[bflag:$0x2] =	sbarrier.arrive $0xFFFF  }
0x67: {  	[sflag:s0] =	ssyncadd.tile.s32 @!p0 $0x1;
	_ =	shalt  }
.Lfunc_end2:
_tile_overlayer_lowered:
.L_overlay_start_2:
0x68: {  	(tag) =	ssettag $0x2  }
0x69: {  	s0 =	rddreg [dreg:$0x0];
	s2 =	stileid.u32  }
0x6a: {  	s1 =	rddreg [dreg:$0x1];
	p0 =	sne.s32 s2, $0x0  }
0x6b: {  	s3 =	rddreg [dreg:$0x2];
	[bflag:$0x3] =	sbarrier.arrive $0xFFFF;
	s2 =	simm.s32 @!p0 $0x1C01  }
0x6c: {  	[timem:s3], [sflag:s2] =	dma.local @!p0 [hbm:s0], s1  }
0x6d: {  	s0 =	simm.s32 @!p0 $0x1  }
0x6e: {  	_ =	swait.ge @!p0 [sflag:s0], s1  }
0x6f: {  	s1 =	ssub.s32 @!p0 $0x0, s1;
	[sflag:s0] =	ssyncset.done @!p0 $0x0  }
0x70: {  	[sflag:s0] =	ssyncadd.s32 @!p0 s1  }
0x71: {  	[bflag:$0x3] =	sbarrier.arrive $0xFFFF  }
0x72: {  	_ =	shalt  }

// kernel: sparse-core-data-format-call.1.cloned.1.call-start
scs
called_computation.1_lowered:
.L_overlay_start_0:
0x0: {  	s1 =	sld [smem:$0x3FD9]  }
0x1: {  	s2 =	sld [smem:$0x3FFE];
	_ =	sdelay $0x1  }
0x2: {  	s3 =	srdreg.scid  }
0x3: {  	s0 =	sand.u32 $0x1, s3  }
0x4: {  	s17 =	sshll.u32 s0, $0xA;
	s1 =	sadd.s32 s2, s1  }
0x5: {  	s1 =	sadd.s32 s1, s17  }
0x6: {  	[smem:$0x3FC4] =	sst s1  }
0x7: {  	_ = 	snop  }
0x8: {  	(tm) =	ssettm $0x1  }
0x9: {  	s18 =	sld [smem:$0x3FFB];
	_ =	sdelay $0x3  }
0xa: {  	_ =	strace s18  }
0xb: {  	s1 =	sld [smem:$0x3FFC];
	_ =	sdelay $0x3  }
0xc: {  	_ =	strace s1  }
0xd: {  	s1 =	sld [smem:$0x3FFD];
	_ =	sdelay $0x3  }
0xe: {  	_ =	strace s1  }
0xf: {  	_ =	strace $0x8FFFFFFF  }
0x10: {  	s19 =	sld [smem:$0x3FDB];
	_ =	sdelay $0x1  }
0x11: {  	s20 =	simm.s32 $_scs_section_size  }
0x12: {  	s4 =	simm.s32 $_size__tile_overlayer_lowered;
	s5 =	simm.s32 $_tile_overlayer_lowered  }
0x13: {  	s23 =	simm.s32 $0x1BFF;
	s22 =	sshll.u32 s5, $0x1;
	s1 =	sadd.s32 s20, s19  }
0x14: {  	s6 =	simm.s32 $0x0;
	s21 =	sshll.u32 s4, $0x1;
	s4 =	sadd.s32 s22, s1  }
0x15: {  	[timem:s6], [sflag:s23] =	dma.local [hbm:s4], s21  }
0x16: {  	_ =	swait.ge [sflag:s23], s21  }
0x17: {  	s2 =	ssub.s32 $0x0, s21;
	[sflag:s23] =	ssyncset.done $0x0  }
0x18: {  	[sflag:s23] =	ssyncadd.s32 s2;
	_ =	sdelay $0x1  }
0x19: {  	s24 =	simm.s32 $0x1B8B  }
0x1a: {  	_ =	swait.ge [sflag:s24], $0x1  }
0x1b: {  	[sflag:s24] =	ssyncset.done $0x0  }
0x1c: {  	s26 =	simm.s32 $0x1B8E;
	s25 =	sld [smem:$0x3FFE];
	[sflag:s24] =	ssyncadd.s32 $0xFFFFFFFF  }
0x1d: {  	s27 =	simm.s32 $execute0_lowered;
	[smem:$0x3FD2] =	sst s26  }
0x1e: {  	s4 =	sshll.u32 s27, $0x1;
	_ =	strace $0x80000049;
	[dreg:$0x1] =	wrdreg $0xFFFFFFFF  }
0x1f: {  	s28 =	simm.s32 $_size_execute0_lowered;
	s1 =	sadd.s32 s1, s4;
	[dreg:$0x0] =	wrdreg $0x0  }
0x20: {  	s4 =	sshll.u32 s28, $0x1;
	[dreg:$0x2] =	wrdreg s1  }
0x21: {  	[dreg:$0x3] =	wrdreg s4  }
0x22: {  	[dreg:$0x4] =	wrdreg $0xC0  }
0x23: {  	_ =	task [dreg:s6], $0x5FFFF  }
0x24: {  	[dreg:$0x1] =	wrdreg $0xFFFFFFFF  }
0x25: {  	[dreg:$0x0] =	wrdreg $0x60  }
0x26: {  	[dreg:$0x2] =	wrdreg s25  }
0x27: {  	[dreg:$0x3] =	wrdreg $0x9  }
0x28: {  	_ =	task.clear_ibuf [dreg:s6], $0x4FFFF;
	_ =	strace $0x90000049  }
0x29: {  	s29 =	simm.s32 $0x9;
	_ =	strace $0x8000004B  }
0x2a: {  	_ =	swait.ge [sflag:s29], $0x1  }
0x2b: {  	[sflag:s29] =	ssyncadd.s32 $0xFFFFFFFF  }
0x2c: {  	_ =	strace $0x9000004B  }
0x2d: {  	_ =	sfence  }
0x2e: {  	s30 =	sld [smem:$0x0];
	_ =	sdelay $0x2  }
0x2f: {  	s31 =	sshll.u32 s3, $0xD;
	s3 =	sshrl.u32 s3, $0x2  }
0x30: {  	s2 =	sand.u32 $0x4000, s31;
	s1 =	sadd.s32 s3, s30  }
0x31: {  	s0 =	sor.u32 s2, s0;
	s1 =	sshll.u32 s1, $0x11  }
0x32: {  	s0 =	sor.u32 s1, s0  }
0x33: {  	s0 =	sadd.s32 $0x8F2B, s0  }
0x34: {  	[sflag:s0] =	ssyncadd.remote.s32 $0x1  }
0x35: {  	_ =	sfence.sel $0xFFFF  }
0x36: {  	[dreg:$0x0] =	wrdreg $0xFFFFFFFF;
	(pc) =	sbr.abs _section_cstart, $3  }
0x37: {  	[dreg:$0x1] =	wrdreg $0xFFFFFFFF  }
0x38: {  	_ =	task.clear_ibuf [dreg:s6], $0x2FFFF;
	_ =	strace $0x9FFFFFFF  }
0x39: {  	(tm) =	ssettm $0x7FFFFFFF  }
tec
execute0_lowered:
.L_overlay_start_1:
0x0: {  	(tag) =	ssettag $0x1  }
0x1: {  	s0 =	srdreg.scid  }
0x2: {  	s0 =	sshll.u32 s0, $0x4  }
0x3: {  	s1 =	stileid.u32;
	s0 =	sand.u32 $0x10, s0  }
0x4: {  	s0 =	sor.u32 s1, s0  }
0x5: {  	s29 =	rddreg [dreg:$0x0];
	s10 =	sshll.u32 s0, $0x7  }
0x6: {  	_ =	strace $0x8000004A;
	s2 =	simm.s32 $0x1;
	s0 =	ssub.s32 $0x2700, s10  }
0x7: {  	s30 =	simm.s32 $0x2;
	s15 =	simm.s32 $0x0;
	s0 =	sshrl.u32 s0, $0xC  }
0x8: {  	s14 =	simm.s32 $0x0;
	s3 =	sadd.s32 $0x609600, s29;
	s0 =	smul.u32 $0x28, s0  }
.Ltmp0:
0x9: {  	[dreg:$0x3] =	wrdreg s3;
	s1 =	sadd.s32 $0xC10600, s29;
	(pc) =	sbr.rel .LBB1_1-.Ltmp0, $4  }
0xa: {  	s9 =	simm.s32 $0x0;
	s11 =	simm.s32 $0x0;
	[dreg:$0x4] =	wrdreg s1  }
0xb: {  	s12 =	simm.s32 $0x0;
	[dreg:$0x2] =	wrdreg s10;
	s31 =	sadd.s32 $0x28, s0  }
0xc: {  	[sflag:s2] =	ssyncpa.u1 $0x0;
	s8 =	sadd.s32 $0x29, s0;
	[dreg:$0x5] =	wrdreg s31  }
0xd: {  	s13 =	simm.s32 $0x0;
	[sflag:s30] =	ssyncpa.u1 $0x0;
	[dreg:$0x6] =	wrdreg s8  }
.LBB1_12:
0xe: {  	s9 =	rddreg [dreg:$0x7]  }
0xf: {  	s1 =	sshll.u32 s11, $0x3;
	s3 =	sand.u32 $0x7F, s11;
	s5 =	rddreg [dreg:$0xb]  }
0x10: {  	p1 =	sgt.s32 s11, $0x1380;
	s4 =	smov.u32 s11;
	s26 =	rddreg [dreg:$0xa]  }
0x11: {  	s30 =	rddreg [dreg:$0x4];
	s31 =	simm.s32 $0xA000;
	s0 =	sshrl.u32 s9, $0x3  }
0x12: {  	s8 =	rddreg [dreg:$0x6];
	s2 =	sshll.u32 s9, $0x7;
	s0 =	smul.u32 $0xA000, s0  }
0x13: {  	s1 =	sand.u32 $0xFFFFFC00, s1;
	p0 =	sgt.s32 s9, $0x2690;
	s2 =	sand.u32 $0x380, s2  }
0x14: {  	s4 =	simm.s32 @!p1 $0x1380;
	s24 =	sor.u32 s3, s2;
	s0 =	sadd.s32 s1, s0  }
0x15: {  	s4 =	sadd.s32 s26, s4;
	s1 =	sor.u32 s0, s24;
	s0 =	smulhi.u32 $0xCCCCCCCD, s0  }
0x16: {  	s3 =	smov.u32 s9;
	s7 =	sadd.s32 $0xFFFFEC80, s4;
	s25 =	smulhi.u32 $0xCCCCCCCD, s1  }
0x17: {  	s4 =	ssub.s32 $0x1400, s4;
	s3 =	simm.s32 @!p0 $0x2690;
	s0 =	sshrl.u32 s0, $0xC  }
0x18: {  	s3 =	sadd.s32 s5, s3;
	s2 =	sshrl.u32 s25, $0xC;
	s27 =	smulhi.u32 $0x68DB9, s0  }
0x19: {  	p1 =	sgt.s32 s7, $0x7F;
	s6 =	sadd.s32 $0xFFFFD970, s3;
	s2 =	smul.u32 $0x1400, s2  }
0x1a: {  	s3 =	ssub.s32 $0x2710, s3;
	p0 =	sgt.s32 s6, $0x7F;
	s5 =	smul.u32 $0x2710, s27  }
0x1b: {  	s14 =	rddreg [dreg:$0x8];
	s4 =	simm.s32 @p1 $0x0;
	s3 =	simm.s32 @p0 $0x0  }
0x1c: {  	s28 =	smul.u32 s4, s3;
	s1 =	ssub.s32 s1, s2;
	s0 =	ssub.s32 s0, s5  }
0x1d: {  	s29 =	sshrl.u32 s1, $0x3;
	s1 =	sand.u32 $0x7, s1;
	s0 =	smul.u32 $0x280, s0  }
0x1e: {  	s15 =	rddreg [dreg:$0x9];
	s3 =	sadd.s32 s30, s29;
	s1 =	sshll.u32 s1, $0x12  }
0x1f: {  	s2 =	sand.u32 $0x3FFFFFFF, s28;
	s1 =	sor.u32 $0x400, s1;
	s0 =	sadd.s32 s0, s3  }
0x20: {  	[hbm4b:s0+s1] =	stream.strided.scatter [tilespmem:s18], [sflag:$0x2], s2, s31, s1, $0x20;
	[tilespmem:$0x10100] =	vst v63  }
.LBB1_13:
0x21: {  	p0 =	slt.u32 s13, $0x2  }
0x22: {  	s1 =	smov.u32 s15;
	s2 =	smov.u32 s14;
	p1 =	sgt.s32 @!p0 s15, $0x2690  }
0x23: {  	s0 =	sshra.s32 @!p0 s15, $0x1F;
	p2 =	sgt.s32 @!p0 s14, $0x1380;
	s3 =	sshra.s32 @!p0 s14, $0x1F  }
0x24: {  	p1 =	por !p1, p0;
	s0 =	sand.u32 @!p0 s0, s15;
	p2 =	por !p2, p0  }
0x25: {  	s3 =	sand.u32 @!p0 s3, s14;
	s1 =	simm.s32 @p1 $0x2690;
	s2 =	simm.s32 @p2 $0x1380  }
0x26: {  	s0 =	ssub.s32 @!p0 s1, s0;
	s1 =	ssub.s32 @!p0 s2, s3  }
0x27: {  	s2 =	sadd.s32 @!p0 $0xFFFFD970, s0;
	s3 =	sadd.s32 @!p0 $0xFFFFEC80, s1  }
0x28: {  	s0 =	ssub.s32 @!p0 $0x2710, s0;
	p1 =	sgt.s32 @!p0 s2, $0x7F;
	p2 =	sgt.s32 @!p0 s3, $0x7F  }
0x29: {  	s1 =	ssub.s32 @!p0 $0x1400, s1;
	p1 =	por !p1, p0;
	p2 =	por !p2, p0  }
0x2a: {  	s0 =	simm.s32 @!p1 $0x0;
	s1 =	simm.s32 @!p2 $0x0  }
0x2b: {  	s0 =	smul.u32 @!p0 s1, s0  }
0x2c: {  	s4 =	smov.u32 s12  }
0x2d: {  	s2 =	simm.s32 @!p0 $0x2;
	s1 =	sadd.s32 $0x1000, s10;
	s0 =	sand.u32 @!p0 $0x3FFFFFFF, s0  }
0x2e: {  	s3 =	sadd.s32 $0x80, s12;
	p1 =	sgt.s32 s1, $0x270F;
	_ =	swait.ge @!p0 [sflag:s2], s0  }
0x2f: {  	s4 =	smov.u32 @p1 s3;
	s3 =	rddreg [dreg:$0x2]  }
0x30: {  	s1 =	smov.u32 @p1 s3;
	p1 =	sgt.s32 s4, $0x1387  }
0x31: {  	s4 =	simm.s32 @p1 $0x0;
	p1 =	sne.s32 s13, s8  }
.Ltmp1:
0x32: {  	_ = 	snop;
	(pc) =	sbr.rel @!p1 .LBB1_14-.Ltmp1, $4  }
0x33: {  	s15 =	smov.u32 s9  }
0x34: {  	s14 =	smov.u32 s11;
	s0 =	ssub.s32 @!p0 $0x0, s0;
	[sflag:s2] =	ssyncset.done @!p0 $0x0  }
0x35: {  	s9 =	smov.u32 s10;
	s11 =	smov.u32 s12;
	[sflag:s2] =	ssyncadd.s32 @!p0 s0  }
0x36: {  	s13 =	sadd.s32 $0x1, s13;
	s10 =	smov.u32 s1;
	s12 =	smov.u32 s4  }
.LBB1_1:
0x37: {  	s0 =	rddreg [dreg:$0x5]  }
0x38: {  	s3 =	smov.u32 s12;
	s5 =	smov.u32 s10;
	p0 =	sge.u32 s13, s0  }
0x39: {  	s0 =	sshrl.u32 @!p0 s12, $0x3;
	s1 =	sshll.u32 @!p0 s10, $0x3;
	s2 =	sshll.u32 @!p0 s12, $0x7  }
0x3a: {  	p1 =	sgt.s32 @!p0 s12, $0x1308;
	s4 =	sshra.s32 @!p0 s12, $0x1F;
	s6 =	sshra.s32 @!p0 s10, $0x1F  }
0x3b: {  	s0 =	smul.u32 @!p0 $0x13C00, s0;
	s1 =	sand.u32 @!p0 $0xFFFFFC00, s1;
	p1 =	por !p1, p0  }
0x3c: {  	s4 =	sand.u32 @!p0 s4, s12;
	s6 =	sand.u32 @!p0 s6, s10;
	s3 =	simm.s32 @p1 $0x1308  }
0x3d: {  	p1 =	sgt.s32 @!p0 s10, $0x2700;
	s0 =	sadd.s32 @!p0 s0, s1;
	s1 =	sand.u32 @!p0 $0x380, s2  }
0x3e: {  	s2 =	sand.u32 @!p0 $0x7F, s10;
	p1 =	por !p1, p0;
	s0 =	sor.u32 @!p0 s1, s0  }
0x3f: {  	s3 =	ssub.s32 @!p0 s3, s4;
	s5 =	simm.s32 @p1 $0x2700;
	s1 =	sor.u32 @!p0 s2, s0  }
0x40: {  	s0 =	smulhi.u32 @!p0 $0xCF6474A9, s0;
	s4 =	ssub.s32 @!p0 s5, s6;
	s6 =	sadd.s32 @!p0 $0xFFFFECF8, s3  }
0x41: {  	s3 =	ssub.s32 @!p0 $0x1388, s3;
	s2 =	smulhi.u32 @!p0 $0xCF6474A9, s1;
	s7 =	sadd.s32 @!p0 $0xFFFFD900, s4  }
0x42: {  	p1 =	sgt.s32 @!p0 s6, $0x7F;
	s4 =	ssub.s32 @!p0 $0x2780, s4;
	s0 =	sshrl.u32 @!p0 s0, $0xD  }
0x43: {  	p2 =	sgt.s32 @!p0 s7, $0x7F;
	s2 =	sshrl.u32 @!p0 s2, $0xD;
	s5 =	smulhi.u32 @!p0 $0xD1B72, s0  }
0x44: {  	p1 =	por !p1, p0;
	p2 =	por !p2, p0;
	s2 =	smul.u32 @!p0 $0x2780, s2  }
0x45: {  	s3 =	simm.s32 @!p1 $0x0;
	s4 =	simm.s32 @!p2 $0x0  }
0x46: {  	s5 =	smul.u32 @!p0 $0x1388, s5;
	s1 =	ssub.s32 @!p0 s1, s2;
	s2 =	sxor.u32 @!p0 $0xFFFFFFFF, s13  }
0x47: {  	s3 =	smul.u32 @!p0 s3, s4;
	s2 =	sshll.u32 @!p0 s2, $0xE  }
0x48: {  	s0 =	ssub.s32 @!p0 s0, s5;
	s4 =	sshrl.u32 @!p0 s1, $0x3;
	s1 =	sand.u32 @!p0 $0x7, s1  }
0x49: {  	s3 =	sand.u32 @!p0 $0x3FFFFFFF, s3;
	s5 =	rddreg [dreg:$0x3];
	s0 =	smul.u32 @!p0 $0x4F0, s0  }
0x4a: {  	s2 =	sand.u32 @!p0 $0x4000, s2;
	s4 =	sadd.s32 @!p0 s5, s4;
	s1 =	sshll.u32 @!p0 s1, $0x12  }
0x4b: {  	s1 =	sor.u32 @!p0 $0x400, s1;
	s0 =	sadd.s32 @!p0 s0, s4;
	s4 =	simm.s32 @!p0 $0x13C00  }
0x4c: {  	[tilespmem:s2], [sflag:$0x1] =	stream.strided.gather @!p0 [hbm4b:s0+s1], s3, s4, s1, $0x38;
	[tilespmem:$0x10100] =	vst v63  }
0x4d: {  	p0 =	seq.s32 s13, $0x0  }
0x4e: {  	p1 =	sge.u32 @!p0 s13, s8  }
0x4f: {  	p0 =	por p0, p1  }
.Ltmp2:
0x50: {  	_ = 	snop;
	(pc) =	sbr.rel @p0 .LBB1_13-.Ltmp2, $1  }
0x51: {  	_ =	sdelay $0x3  }
0x52: {  	s0 =	ssub.s32 $0x0, s11;
	s1 =	sshra.s32 s11, $0x1F;
	p0 =	sgt.s32 s11, $0x1308  }
0x53: {  	s2 =	smov.u32 s11;
	s25 =	ssub.s32 $0x0, s9;
	s26 =	sshra.s32 s9, $0x1F  }
0x54: {  	s3 =	smov.u32 s9;
	s2 =	simm.s32 @!p0 $0x1308;
	p0 =	sgt.s32 s9, $0x2700  }
0x55: {  	s4 =	sand.u32 s0, s1;
	s1 =	sand.u32 s25, s26;
	s3 =	simm.s32 @!p0 $0x2700  }
0x56: {  	s2 =	sadd.s32 s4, s2;
	[dreg:$0xb] =	wrdreg s1;
	s1 =	sadd.s32 s1, s3  }
0x57: {  	s27 =	sadd.s32 $0xFFFFECF8, s2;
	s2 =	ssub.s32 $0x1388, s2;
	s28 =	sadd.s32 $0xFFFFD900, s1  }
0x58: {  	p0 =	sgt.s32 s27, $0x7F;
	s0 =	ssub.s32 $0x2780, s1;
	p1 =	sgt.s32 s28, $0x7F  }
0x59: {  	s2 =	simm.s32 @p0 $0x0;
	s0 =	simm.s32 @p1 $0x0  }
0x5a: {  	s29 =	smul.u32 s2, s0;
	s2 =	sadd.s32 $0x80, s11  }
0x5b: {  	p0 =	slt.s32 s2, $0x1388  }
0x5c: {  	s2 =	simm.s32 @!p0 $0x1388  }
0x5d: {  	[dreg:$0x9] =	wrdreg s15;
	s19 =	ssub.s32 s2, s11  }
0x5e: {  	[dreg:$0x8] =	wrdreg s14;
	p0 =	slt.s32 s19, $0x1  }
.Ltmp3:
0x5f: {  	[dreg:$0x7] =	wrdreg s9;
	s30 =	simm.s32 $0x1;
	(pc) =	sbr.rel @p0 .LBB1_12-.Ltmp3, $4  }
0x60: {  	[dreg:$0xa] =	wrdreg s4;
	s0 =	sand.u32 $0x1, s13;
	s1 =	sand.u32 $0x3FFFFFFF, s29  }
0x61: {  	s31 =	smul.u32 $0x4080, s0;
	_ =	swait.ge [sflag:s30], s1  }
0x62: {  	s1 =	ssub.s32 $0x0, s1;
	[sflag:s30] =	ssyncset.done $0x0  }
0x63: {  	s18 =	sor.u32 $0x8000, s31;
	[sflag:s30] =	ssyncadd.s32 s1  }
0x64: {  	s2 =	rddreg [dreg:$0x7]  }
0x65: {  	s1 =	sadd.s32 $0x80, s2  }
0x66: {  	p0 =	slt.s32 s1, $0x2710  }
.Ltmp4:
0x67: {  	s1 =	simm.s32 @!p0 $0x2710;
	(pc) =	sbr.rel .LBB1_4-.Ltmp4, $4  }
0x68: {  	s22 =	sshll.u32 s0, $0xE;
	s1 =	ssub.s32 s1, s2  }
0x69: {  	s24 =	simm.s32 $0x0;
	s25 =	simm.s32 $0x400;
	s1 =	sadd.s32 $0xF, s1  }
0x6a: {  	s20 =	sand.u32 $0xFFFFFFF0, s1;
	s21 =	sand.u32 $0xFFFFFF00, s1;
	s31 =	sshll.u32 s1, $0x3  }
0x6b: {  	p0 =	slt.s32 s1, $0x100;
	s23 =	sand.u32 $0xFFFFF800, s31;
	p1 =	sge.s32 s21, s20  }
.LBB1_11:
0x6c: {  	s24 =	sadd.s32 $0x1, s24  }
0x6d: {  	p2 =	sne.s32 s24, s19  }
.Ltmp5:
0x6e: {  	_ = 	snop;
	(pc) =	sbr.rel @!p2 .LBB1_12-.Ltmp5, $2  }
0x6f: {  	_ =	sdelay $0x2  }
0x70: {  	s25 =	sadd.s32 $0x80, s25  }
.LBB1_4:
.Ltmp6:
0x71: {  	(pc) =	sbr.rel @p0 .LBB1_8-.Ltmp6, $2  }
0x72: {  	_ =	sdelay $0x2  }
0x73: {  	s26 =	sshll.u32 s24, $0x7;
	s27 =	sand.u32 $0x7F, s24  }
0x74: {  	s0 =	sshll.u32 s24, $0x3  }
0x75: {  	s5 =	sand.u32 $0x380, s26;
	s2 =	sshrl.u32 s0, $0x7  }
0x76: {  	s3 =	sadd.s32 $0x800, s0;
	s6 =	sadd.s32 $0x1000, s0;
	s17 =	sadd.s32 s5, s22  }
0x77: {  	s16 =	sadd.s32 $0x1800, s0;
	s7 =	sadd.s32 $0x2800, s0;
	s14 =	sadd.s32 $0x3000, s0  }
0x78: {  	s0 =	sadd.s32 $0x3800, s0;
	s1 =	sand.u32 $0x78, s2;
	s3 =	sshrl.u32 s3, $0x7  }
0x79: {  	s15 =	sshrl.u32 s6, $0x7;
	s6 =	sshrl.u32 s16, $0x7;
	s8 =	sshrl.u32 s7, $0x7  }
0x7a: {  	s16 =	sshrl.u32 s0, $0x7;
	s4 =	smul.u32 $0x204, s1;
	s3 =	sand.u32 $0x78, s3  }
0x7b: {  	s7 =	sadd.s32 $0x20, s2;
	v0 =	vmov s17;
	s17 =	sand.u32 $0x3C00, s25;
	s3 =	smul.u32 $0x204, s3  }
0x7c: {  	s5 =	sand.u32 $0x78, s15;
	s1 =	sxor.u32 $0x40, s1;
	s15 =	sshrl.u32 s14, $0x7  }
0x7d: {  	s5 =	smul.u32 $0x204, s5;
	s4 =	sshrl.u32 s4, $0x2;
	s3 =	sshrl.u32 s3, $0x2  }
0x7e: {  	s1 =	smul.u32 $0x204, s1;
	s4 =	sadd.s32 s4, s18;
	s3 =	sadd.s32 s3, s18  }
0x7f: {  	s28 =	sadd.s32 s27, s4;
	s4 =	sand.u32 $0x78, s6;
	s6 =	sshrl.u32 s5, $0x2  }
0x80: {  	s29 =	sadd.s32 s27, s3;
	s3 =	smul.u32 $0x204, s4;
	s4 =	sadd.s32 s6, s18  }
0x81: {  	s14 =	sand.u32 $0x78, s7;
	s30 =	sadd.s32 s27, s4;
	s4 =	sand.u32 $0x78, s8  }
0x82: {  	s7 =	sadd.s32 $0x30, s2;
	s1 =	sshrl.u32 s1, $0x2;
	s4 =	smul.u32 $0x204, s4  }
0x83: {  	s9 =	sadd.s32 s1, s18;
	s5 =	sand.u32 $0x78, s16;
	s3 =	sshrl.u32 s3, $0x2  }
0x84: {  	s31 =	sadd.s32 s27, s9;
	s3 =	sadd.s32 s3, s18;
	s4 =	sshrl.u32 s4, $0x2  }
0x85: {  	s1 =	sadd.s32 s27, s3;
	s3 =	sand.u32 $0x78, s15;
	s4 =	sadd.s32 s4, s18  }
0x86: {  	s6 =	sadd.s32 $0x10, s2;
	s3 =	smul.u32 $0x204, s3;
	s0 =	sadd.s32 s27, s4  }
0x87: {  	s4 =	smul.u32 $0x204, s5;
	s5 =	sand.u32 $0x78, s6;
	s6 =	sand.u32 $0x78, s7  }
0x88: {  	s7 =	sadd.s32 $0x50, s2;
	s3 =	sshrl.u32 s3, $0x2;
	s5 =	smul.u32 $0x204, s5  }
0x89: {  	s6 =	smul.u32 $0x204, s6;
	s7 =	sand.u32 $0x78, s7;
	s3 =	sadd.s32 s3, s18  }
0x8a: {  	s9 =	sshrl.u32 s4, $0x2;
	s4 =	smul.u32 $0x204, s14;
	s14 =	sadd.s32 $0x60, s2  }
0x8b: {  	s7 =	smul.u32 $0x204, s7;
	s2 =	sadd.s32 $0x70, s2;
	s8 =	sadd.s32 s27, s3  }
0x8c: {  	s3 =	sadd.s32 s9, s18;
	s15 =	sshrl.u32 s5, $0x2;
	s14 =	sand.u32 $0x78, s14  }
0x8d: {  	s6 =	sshrl.u32 s6, $0x2;
	s2 =	sand.u32 $0x78, s2;
	s5 =	sadd.s32 s27, s3  }
0x8e: {  	v1 =	vld.idx.msk [tilespmem:v0+s17+$0x0 ss:$0x1], $0xffff;
	s16 =	sadd.s32 s15, s18;
	s4 =	sshrl.u32 s4, $0x2;
	s14 =	smul.u32 $0x204, s14  }
0x8f: {  	s2 =	smul.u32 $0x204, s2;
	s7 =	sshrl.u32 s7, $0x2;
	s4 =	sadd.s32 s4, s18  }
0x90: {  	s15 =	sadd.s32 s6, s18;
	s7 =	sadd.s32 s7, s18;
	s3 =	sadd.s32 s27, s4  }
0x91: {  	s4 =	sadd.s32 s27, s15;
	s14 =	sshrl.u32 s14, $0x2;
	s2 =	sshrl.u32 s2, $0x2  }
0x92: {  	s15 =	sadd.s32 $0xFFFFFC00, s25;
	s14 =	sadd.s32 s14, s18;
	s9 =	sadd.s32 s2, s18  }
0x93: {  	[tilespmem:s28+$0x0 ss:$0x81] =	vst.msk $0xffff, v1;
	v1 =	vld.idx.msk [tilespmem:v0+s17+$0x20 ss:$0x1], $0xffff;
	s2 =	sadd.s32 s27, s7;
	s7 =	sadd.s32 s27, s14;
	s14 =	sand.u32 $0x3C00, s15  }
0x94: {  	v2 =	vld.idx.msk [tilespmem:v0+s14+$0x70 ss:$0x1], $0xffff  }
0x95: {  	v3 =	vld.idx.msk [tilespmem:v0+s14+$0x0 ss:$0x1], $0xffff  }
0x96: {  	v4 =	vld.idx.msk [tilespmem:v0+s14+$0x10 ss:$0x1], $0xffff  }
0x97: {  	v5 =	vld.idx.msk [tilespmem:v0+s14+$0x20 ss:$0x1], $0xffff  }
0x98: {  	v6 =	vld.idx.msk [tilespmem:v0+s14+$0x30 ss:$0x1], $0xffff  }
0x99: {  	v7 =	vld.idx.msk [tilespmem:v0+s14+$0x40 ss:$0x1], $0xffff;
	[tilespmem:s5+$0x0 ss:$0x81] =	vst.msk $0xffff, v2  }
0x9a: {  	v8 =	vld.idx.msk [tilespmem:v0+s14+$0x50 ss:$0x1], $0xffff;
	[tilespmem:s28+$0x0 ss:$0x81] =	vst.msk $0xffff, v3  }
0x9b: {  	p2 =	sgt.s32 s21, $0x100;
	v9 =	vld.idx.msk [tilespmem:v0+s14+$0x60 ss:$0x1], $0xffff;
	[tilespmem:s29+$0x0 ss:$0x81] =	vst.msk $0xffff, v4  }
.Ltmp7:
0x9c: {  	v4 =	vld.idx.msk [tilespmem:v0+s17+$0x10 ss:$0x1], $0xffff;
	[tilespmem:s30+$0x0 ss:$0x81] =	vst.msk $0xffff, v5;
	(pc) =	sbr.rel @!p2 .LBB1_7-.Ltmp7, $4  }
0x9d: {  	[tilespmem:s1+$0x0 ss:$0x81] =	vst.msk $0xffff, v6;
	v2 =	vld.idx.msk [tilespmem:v0+s17+$0x30 ss:$0x1], $0xffff  }
0x9e: {  	[tilespmem:s31+$0x0 ss:$0x81] =	vst.msk $0xffff, v7;
	v3 =	vld.idx.msk [tilespmem:v0+s17+$0x40 ss:$0x1], $0xffff  }
0x9f: {  	s6 =	sadd.s32 s27, s16;
	[tilespmem:s0+$0x0 ss:$0x81] =	vst.msk $0xffff, v8;
	v5 =	vld.idx.msk [tilespmem:v0+s17+$0x50 ss:$0x1], $0xffff  }
0xa0: {  	s16 =	sadd.s32 s27, s9;
	s15 =	sadd.s32 $0x800, s25;
	s14 =	simm.s32 $0x100;
	[tilespmem:s8+$0x0 ss:$0x81] =	vst.msk $0xffff, v9;
	v6 =	vld.idx.msk [tilespmem:v0+s17+$0x60 ss:$0x1], $0xffff  }
.LBB1_6:
0xa1: {  	s9 =	sadd.s32 $0xFFFFFC00, s15;
	s14 =	sadd.s32 $0x100, s14;
	[tilespmem:s6+$0x0 ss:$0x81] =	vst.msk $0xffff, v4;
	v4 =	vld.idx.msk [tilespmem:v0+s17+$0x70 ss:$0x1], $0xffff;
	s17 =	sand.u32 $0x3C00, s15  }
0xa2: {  	s9 =	sand.u32 $0x3C00, s9;
	v7 =	vld.idx.msk [tilespmem:v0+s17+$0x0 ss:$0x1], $0xffff;
	p2 =	slt.s32 s14, s21;
	[tilespmem:s3+$0x0 ss:$0x81] =	vst.msk $0xffff, v1  }
0xa3: {  	v1 =	vld.idx.msk [tilespmem:v0+s9+$0x70 ss:$0x1], $0xffff;
	[tilespmem:s4+$0x0 ss:$0x81] =	vst.msk $0xffff, v2  }
0xa4: {  	v2 =	vld.idx.msk [tilespmem:v0+s9+$0x0 ss:$0x1], $0xffff;
	[tilespmem:s31+$0x0 ss:$0x81] =	vst.msk $0xffff, v3  }
0xa5: {  	v3 =	vld.idx.msk [tilespmem:v0+s9+$0x10 ss:$0x1], $0xffff;
	[tilespmem:s2+$0x0 ss:$0x81] =	vst.msk $0xffff, v5  }
0xa6: {  	v5 =	vld.idx.msk [tilespmem:v0+s9+$0x20 ss:$0x1], $0xffff;
	[tilespmem:s7+$0x0 ss:$0x81] =	vst.msk $0xffff, v6  }
0xa7: {  	v6 =	vld.idx.msk [tilespmem:v0+s9+$0x30 ss:$0x1], $0xffff;
	[tilespmem:s16+$0x0 ss:$0x81] =	vst.msk $0xffff, v4  }
0xa8: {  	v8 =	vld.idx.msk [tilespmem:v0+s9+$0x40 ss:$0x1], $0xffff;
	[tilespmem:s28+$0x0 ss:$0x81] =	vst.msk $0xffff, v7  }
0xa9: {  	v7 =	vld.idx.msk [tilespmem:v0+s9+$0x50 ss:$0x1], $0xffff;
	[tilespmem:s5+$0x0 ss:$0x81] =	vst.msk $0xffff, v1  }
0xaa: {  	[tilespmem:s28+$0x0 ss:$0x81] =	vst.msk $0xffff, v2;
	v9 =	vld.idx.msk [tilespmem:v0+s9+$0x60 ss:$0x1], $0xffff  }
0xab: {  	[tilespmem:s29+$0x0 ss:$0x81] =	vst.msk $0xffff, v3;
	v4 =	vld.idx.msk [tilespmem:v0+s17+$0x10 ss:$0x1], $0xffff  }
.Ltmp8:
0xac: {  	[tilespmem:s30+$0x0 ss:$0x81] =	vst.msk $0xffff, v5;
	v1 =	vld.idx.msk [tilespmem:v0+s17+$0x20 ss:$0x1], $0xffff;
	(pc) =	sbr.rel @p2 .LBB1_6-.Ltmp8, $4  }
0xad: {  	[tilespmem:s1+$0x0 ss:$0x81] =	vst.msk $0xffff, v6;
	v2 =	vld.idx.msk [tilespmem:v0+s17+$0x30 ss:$0x1], $0xffff  }
0xae: {  	[tilespmem:s31+$0x0 ss:$0x81] =	vst.msk $0xffff, v8;
	v3 =	vld.idx.msk [tilespmem:v0+s17+$0x40 ss:$0x1], $0xffff  }
0xaf: {  	[tilespmem:s0+$0x0 ss:$0x81] =	vst.msk $0xffff, v7;
	v5 =	vld.idx.msk [tilespmem:v0+s17+$0x50 ss:$0x1], $0xffff  }
0xb0: {  	s15 =	sadd.s32 $0x800, s15;
	[tilespmem:s8+$0x0 ss:$0x81] =	vst.msk $0xffff, v9;
	v6 =	vld.idx.msk [tilespmem:v0+s17+$0x60 ss:$0x1], $0xffff  }
.LBB1_7:
0xb1: {  	_ =	sdelay $0x2  }
0xb2: {  	[tilespmem:s6+$0x0 ss:$0x81] =	vst.msk $0xffff, v4  }
0xb3: {  	v0 =	vld.idx.msk [tilespmem:v0+s17+$0x70 ss:$0x1], $0xffff;
	[tilespmem:s3+$0x0 ss:$0x81] =	vst.msk $0xffff, v1  }
0xb4: {  	[tilespmem:s4+$0x0 ss:$0x81] =	vst.msk $0xffff, v2  }
0xb5: {  	[tilespmem:s31+$0x0 ss:$0x81] =	vst.msk $0xffff, v3  }
0xb6: {  	[tilespmem:s2+$0x0 ss:$0x81] =	vst.msk $0xffff, v5  }
0xb7: {  	[tilespmem:s7+$0x0 ss:$0x81] =	vst.msk $0xffff, v6  }
0xb8: {  	[tilespmem:s16+$0x0 ss:$0x81] =	vst.msk $0xffff, v0  }
.LBB1_8:
.Ltmp9:
0xb9: {  	(pc) =	sbr.rel @p1 .LBB1_11-.Ltmp9, $1  }
0xba: {  	_ =	sdelay $0x3  }
0xbb: {  	s1 =	sand.u32 $0x380, s26;
	s0 =	sshrl.u32 s24, $0x4;
	s2 =	sadd.s32 s27, s18  }
0xbc: {  	s3 =	smov.u32 s23;
	s4 =	smov.u32 s21;
	s1 =	sadd.s32 s1, s22  }
.LBB1_10:
0xbd: {  	s5 =	sand.u32 $0x3C00, s3  }
0xbe: {  	s5 =	sadd.s32 s26, s5  }
0xbf: {  	s5 =	sand.u32 $0x3C00, s5  }
0xc0: {  	s6 =	sand.u32 $0x70, s4;
	s30 =	sadd.s32 s4, s0;
	s5 =	sadd.s32 s5, s1  }
0xc1: {  	s4 =	sadd.s32 $0x10, s4;
	s31 =	sand.u32 $0x78, s30;
	s5 =	sadd.s32 s6, s5  }
0xc2: {  	p2 =	slt.s32 s4, s20;
	v0 =	vld [tilespmem:s5+$0x0];
	s5 =	smul.u32 $0x204, s31  }
.Ltmp10:
0xc3: {  	_ = 	snop;
	(pc) =	sbr.rel @p2 .LBB1_10-.Ltmp10, $4  }
0xc4: {  	_ = 	snop  }
0xc5: {  	s5 =	sshrl.u32 s5, $0x2  }
0xc6: {  	s5 =	sadd.s32 s5, s2  }
0xc7: {  	s3 =	sadd.s32 $0x80, s3;
	[tilespmem:s5+$0x0 ss:$0x81] =	vst.msk $0xffff, v0  }
.Ltmp11:
0xc8: {  	_ = 	snop;
	(pc) =	sbr.rel .LBB1_11-.Ltmp11, $1  }
0xc9: {  	_ =	sdelay $0x3  }
.LBB1_14:
0xca: {  	_ =	sfence.sel $0x180000  }
0xcb: {  	s0 =	simm.s32 $0x1;
	[bflag:$0x0] =	sbarrier.arrive $0xFFFF  }
0xcc: {  	s30 =	simm.s32 $0x2;
	[sflag:s0] =	ssyncpa.u1 $0x1  }
0xcd: {  	[sflag:s30] =	ssyncpa.u1 $0x1  }
0xce: {  	_ =	strace $0x9000004A  }
0xcf: {  	s31 =	stileid.u32;
	[bflag:$0x2] =	sbarrier.arrive $0xFFFF  }
0xd0: {  	p0 =	sne.s32 s31, $0x0;
	s0 =	rddreg [dreg:$0x1]  }
0xd1: {  	s0 =	sadd.s32 @!p0 $0x100000, s0  }
0xd2: {  	[sflag:s0] =	ssyncadd.tile.s32 @!p0 $0x1;
	_ =	shalt  }
.Lfunc_end1:
_tile_overlayer_lowered:
.L_overlay_start_2:
0xd3: {  	(tag) =	ssettag $0x2  }
0xd4: {  	s0 =	rddreg [dreg:$0x0];
	s2 =	stileid.u32  }
0xd5: {  	s1 =	rddreg [dreg:$0x1];
	p0 =	sne.s32 s2, $0x0  }
0xd6: {  	s3 =	rddreg [dreg:$0x2];
	[bflag:$0x3] =	sbarrier.arrive $0xFFFF;
	s2 =	simm.s32 @!p0 $0x1C01  }
0xd7: {  	[timem:s3], [sflag:s2] =	dma.local @!p0 [hbm:s0], s1  }
0xd8: {  	s0 =	simm.s32 @!p0 $0x1  }
0xd9: {  	_ =	swait.ge @!p0 [sflag:s0], s1  }
0xda: {  	s1 =	ssub.s32 @!p0 $0x0, s1;
	[sflag:s0] =	ssyncset.done @!p0 $0x0  }
0xdb: {  	[sflag:s0] =	ssyncadd.s32 @!p0 s1  }
0xdc: {  	[bflag:$0x3] =	sbarrier.arrive $0xFFFF  }
0xdd: {  	_ =	shalt  }

// kernel: sparse-core-data-format-call.cloned.1.call-start
scs
called_computation_lowered:
.L_overlay_start_0:
0x0: {  	s2 =	sld [smem:$0x3FD9]  }
0x1: {  	s3 =	sld [smem:$0x3FFE];
	_ =	sdelay $0x1  }
0x2: {  	s1 =	srdreg.scid  }
0x3: {  	s0 =	sand.u32 $0x1, s1  }
0x4: {  	s16 =	sshll.u32 s0, $0xA;
	s2 =	sadd.s32 s3, s2  }
0x5: {  	s2 =	sadd.s32 s2, s16  }
0x6: {  	[smem:$0x3FC4] =	sst s2  }
0x7: {  	_ = 	snop  }
0x8: {  	s2 =	sld [smem:$0x3FD0];
	_ =	sdelay $0x2  }
0x9: {  	s17 =	simm.s32 $0xB;
	s4 =	simm.s32 $0x10  }
0xa: {  	[smem:s4], [sflag:s17] =	dma.local [hbm:s2], $0x1  }
0xb: {  	_ =	swait.eq [sflag:s17], $0x1  }
0xc: {  	[sflag:s17] =	ssyncset.done $0x0  }
0xd: {  	[sflag:s17] =	ssyncadd.s32 $0xFFFFFFFF  }
0xe: {  	s18 =	sld [smem:$0x11];
	(tm) =	ssettm $0x1  }
0xf: {  	s19 =	sld [smem:$0x3FFB];
	_ =	sdelay $0x3  }
0x10: {  	_ =	strace s19  }
0x11: {  	s2 =	sld [smem:$0x3FFC];
	_ =	sdelay $0x3  }
0x12: {  	_ =	strace s2  }
0x13: {  	s2 =	sld [smem:$0x3FFD];
	_ =	sdelay $0x3  }
0x14: {  	_ =	strace s2  }
0x15: {  	_ =	strace $0x8FFFFFFF  }
0x16: {  	s20 =	sld [smem:$0x3FDB];
	_ =	sdelay $0x1  }
0x17: {  	s21 =	simm.s32 $_scs_section_size  }
0x18: {  	s5 =	simm.s32 $_size__tile_overlayer_lowered;
	s6 =	simm.s32 $_tile_overlayer_lowered  }
0x19: {  	s7 =	simm.s32 $0x1BFF;
	s22 =	sshll.u32 s6, $0x1;
	s4 =	sadd.s32 s21, s20  }
0x1a: {  	s23 =	simm.s32 $0x0;
	s5 =	sshll.u32 s5, $0x1;
	s6 =	sadd.s32 s22, s4  }
0x1b: {  	[timem:s23], [sflag:s7] =	dma.local [hbm:s6], s5  }
0x1c: {  	_ =	swait.ge [sflag:s7], s5  }
0x1d: {  	s5 =	ssub.s32 $0x0, s5;
	[sflag:s7] =	ssyncset.done $0x0  }
0x1e: {  	[sflag:s7] =	ssyncadd.s32 s5;
	_ =	sdelay $0x1  }
0x1f: {  	s24 =	simm.s32 $0x1B8B  }
0x20: {  	_ =	swait.ge [sflag:s24], $0x1  }
0x21: {  	[sflag:s24] =	ssyncset.done $0x0  }
0x22: {  	[sflag:s24] =	ssyncadd.s32 $0xFFFFFFFF  }
0x23: {  	s5 =	sld [smem:$0x0]  }
0x24: {  	s6 =	sand.u32 $0xFFFFFFFE, s1  }
0x25: {  	p0 =	sne.s32 s1, s6  }
0x26: {  	s6 =	sshll.u32 @p0 s6, $0xE  }
0x27: {  	s6 =	sadd.s32 @p0 $0x11B8D, s6;
	s7 =	sshll.u32 @p0 s5, $0x11  }
0x28: {  	s6 =	sor.u32 @p0 s7, s6  }
0x29: {  	[sflag:s6] =	ssyncadd.remote.s32 @p0 $0x1;
	_ =	sdelay $0x1  }
0x2a: {  	s6 =	simm.s32 @p0 $0x1B8D  }
0x2b: {  	_ =	swait.eq @p0 [sflag:s6], $0x1  }
0x2c: {  	[sflag:s6] =	ssyncadd.s32 @p0 $0xFFFFFFFF  }
0x2d: {  	s7 =	sshll.u32 @!p0 s1, $0xE  }
0x2e: {  	s7 =	sor.u32 @!p0 $0x4000, s7;
	s6 =	simm.s32 @!p0 $0x1B8D  }
0x2f: {  	s5 =	sshll.u32 @!p0 s5, $0x11;
	s7 =	sadd.s32 @!p0 $0x11B8D, s7;
	_ =	swait.eq @!p0 [sflag:s6], $0x1  }
0x30: {  	s5 =	sor.u32 @!p0 s5, s7;
	[sflag:s6] =	ssyncadd.s32 @!p0 $0xFFFFFFFF  }
0x31: {  	s26 =	simm.s32 $0x1B8E;
	s25 =	sld [smem:$0x3FFE];
	[sflag:s5] =	ssyncadd.remote.s32 @!p0 $0x1  }
0x32: {  	s27 =	simm.s32 $execute0_lowered;
	[smem:$0x3FD2] =	sst s26  }
0x33: {  	s6 =	sshll.u32 s27, $0x1;
	_ =	strace $0x80000052;
	[dreg:$0x1] =	wrdreg $0xFFFFFFFF  }
0x34: {  	s28 =	simm.s32 $_size_execute0_lowered;
	s4 =	sadd.s32 s4, s6;
	[dreg:$0x0] =	wrdreg $0x0  }
0x35: {  	s6 =	sshll.u32 s28, $0x1;
	[dreg:$0x2] =	wrdreg s4  }
0x36: {  	[dreg:$0x3] =	wrdreg s6  }
0x37: {  	[dreg:$0x4] =	wrdreg $0xC0  }
0x38: {  	_ =	task [dreg:s23], $0x5FFFF  }
0x39: {  	[dreg:$0x1] =	wrdreg $0xFFFFFFFF  }
0x3a: {  	[dreg:$0x0] =	wrdreg $0x60  }
0x3b: {  	[dreg:$0x2] =	wrdreg s25  }
0x3c: {  	[dreg:$0x3] =	wrdreg s18  }
0x3d: {  	[dreg:$0x4] =	wrdreg $0xA  }
0x3e: {  	_ =	task.clear_ibuf [dreg:s23], $0x5FFFF;
	_ =	strace $0x90000052  }
0x3f: {  	s29 =	simm.s32 $0xA;
	_ =	strace $0x80000054  }
0x40: {  	_ =	swait.ge [sflag:s29], $0x1  }
0x41: {  	[sflag:s29] =	ssyncadd.s32 $0xFFFFFFFF  }
0x42: {  	_ =	strace $0x90000054  }
0x43: {  	_ =	sfence  }
0x44: {  	s30 =	sld [smem:$0x0];
	_ =	sdelay $0x2  }
0x45: {  	s31 =	sshll.u32 s1, $0xD;
	s1 =	sshrl.u32 s1, $0x2  }
0x46: {  	s4 =	sand.u32 $0x4000, s31;
	s1 =	sadd.s32 s1, s30  }
0x47: {  	s0 =	sor.u32 s4, s0;
	s1 =	sshll.u32 s1, $0x11  }
0x48: {  	s0 =	sor.u32 s1, s0  }
0x49: {  	s0 =	sadd.s32 $0x8F2B, s0  }
0x4a: {  	[sflag:s0] =	ssyncadd.remote.s32 $0x1  }
0x4b: {  	_ =	sfence.sel $0xFFFF  }
0x4c: {  	[dreg:$0x0] =	wrdreg $0xFFFFFFFF;
	(pc) =	sbr.abs _section_cstart, $3  }
0x4d: {  	[dreg:$0x1] =	wrdreg $0xFFFFFFFF  }
0x4e: {  	_ =	task.clear_ibuf [dreg:s23], $0x2FFFF;
	_ =	strace $0x9FFFFFFF  }
0x4f: {  	(tm) =	ssettm $0x7FFFFFFF  }
tec
execute0_lowered:
.L_overlay_start_1:
0x0: {  	(tag) =	ssettag $0x1  }
0x1: {  	s0 =	srdreg.scid  }
0x2: {  	s0 =	sshll.u32 s0, $0x4  }
0x3: {  	s2 =	stileid.u32;
	s0 =	sand.u32 $0x10, s0  }
0x4: {  	s0 =	sor.u32 s2, s0  }
0x5: {  	s12 =	sshll.u32 s0, $0x7  }
0x6: {  	s1 =	rddreg [dreg:$0x0];
	s0 =	ssub.s32 $0x1380, s12  }
0x7: {  	_ =	strace $0x80000053;
	s29 =	simm.s32 $0x1;
	s0 =	sshrl.u32 s0, $0xC  }
0x8: {  	s30 =	simm.s32 $0x2;
	s15 =	simm.s32 $0x0;
	s0 =	smul.u32 $0x28, s0  }
.Ltmp0:
0x9: {  	s14 =	simm.s32 $0x0;
	s1 =	sadd.s32 $0x2400, s1;
	(pc) =	sbr.rel .LBB1_1-.Ltmp0, $4  }
0xa: {  	s9 =	simm.s32 $0x0;
	s11 =	simm.s32 $0x0;
	[dreg:$0x4] =	wrdreg s1  }
0xb: {  	s10 =	simm.s32 $0x0;
	[dreg:$0x3] =	wrdreg s12;
	s31 =	sadd.s32 $0x28, s0  }
0xc: {  	[sflag:s29] =	ssyncpa.u1 $0x0;
	s8 =	sadd.s32 $0x29, s0;
	[dreg:$0x5] =	wrdreg s31  }
0xd: {  	s13 =	simm.s32 $0x0;
	[sflag:s30] =	ssyncpa.u1 $0x0;
	[dreg:$0x6] =	wrdreg s8  }
.LBB1_12:
0xe: {  	s9 =	rddreg [dreg:$0x7]  }
0xf: {  	s1 =	sshll.u32 s11, $0x3;
	s3 =	sand.u32 $0x7F, s11;
	s5 =	rddreg [dreg:$0xb]  }
0x10: {  	p1 =	sgt.s32 s11, $0x1380;
	s4 =	smov.u32 s11;
	s26 =	rddreg [dreg:$0xa]  }
0x11: {  	s30 =	rddreg [dreg:$0x1];
	s31 =	simm.s32 $0xA000;
	s0 =	sshrl.u32 s9, $0x3  }
0x12: {  	s8 =	rddreg [dreg:$0x6];
	s2 =	sshll.u32 s9, $0x7;
	s0 =	smul.u32 $0xA000, s0  }
0x13: {  	s1 =	sand.u32 $0xFFFFFC00, s1;
	p0 =	sgt.s32 s9, $0x1308;
	s2 =	sand.u32 $0x380, s2  }
0x14: {  	s4 =	simm.s32 @!p1 $0x1380;
	s24 =	sor.u32 s3, s2;
	s0 =	sadd.s32 s1, s0  }
0x15: {  	s4 =	sadd.s32 s26, s4;
	s1 =	sor.u32 s0, s24;
	s0 =	smulhi.u32 $0xCCCCCCCD, s0  }
0x16: {  	s3 =	smov.u32 s9;
	s7 =	sadd.s32 $0xFFFFEC80, s4;
	s25 =	smulhi.u32 $0xCCCCCCCD, s1  }
0x17: {  	s4 =	ssub.s32 $0x1400, s4;
	s3 =	simm.s32 @!p0 $0x1308;
	s0 =	sshrl.u32 s0, $0xC  }
0x18: {  	s3 =	sadd.s32 s5, s3;
	s2 =	sshrl.u32 s25, $0xC;
	s27 =	smulhi.u32 $0xD1B72, s0  }
0x19: {  	p1 =	sgt.s32 s7, $0x7F;
	s6 =	sadd.s32 $0xFFFFECF8, s3;
	s2 =	smul.u32 $0x1400, s2  }
0x1a: {  	s3 =	ssub.s32 $0x1388, s3;
	p0 =	sgt.s32 s6, $0x7F;
	s5 =	smul.u32 $0x1388, s27  }
0x1b: {  	s14 =	rddreg [dreg:$0x8];
	s4 =	simm.s32 @p1 $0x0;
	s3 =	simm.s32 @p0 $0x0  }
0x1c: {  	s28 =	smul.u32 s4, s3;
	s1 =	ssub.s32 s1, s2;
	s0 =	ssub.s32 s0, s5  }
0x1d: {  	s29 =	sshrl.u32 s1, $0x3;
	s1 =	sand.u32 $0x7, s1;
	s0 =	smul.u32 $0x280, s0  }
0x1e: {  	s15 =	rddreg [dreg:$0x9];
	s3 =	sadd.s32 s30, s29;
	s1 =	sshll.u32 s1, $0x12  }
0x1f: {  	s2 =	sand.u32 $0x3FFFFFFF, s28;
	s1 =	sor.u32 $0x400, s1;
	s0 =	sadd.s32 s0, s3  }
0x20: {  	[hbm4b:s0+s1] =	stream.strided.scatter [tilespmem:s18], [sflag:$0x2], s2, s31, s1, $0x20;
	[tilespmem:$0x10100] =	vst v63  }
.LBB1_13:
0x21: {  	p0 =	slt.u32 s13, $0x2  }
0x22: {  	s1 =	smov.u32 s15;
	s2 =	smov.u32 s14;
	p1 =	sgt.s32 @!p0 s15, $0x1308  }
0x23: {  	s0 =	sshra.s32 @!p0 s15, $0x1F;
	p2 =	sgt.s32 @!p0 s14, $0x1380;
	s3 =	sshra.s32 @!p0 s14, $0x1F  }
0x24: {  	p1 =	por !p1, p0;
	s0 =	sand.u32 @!p0 s0, s15;
	p2 =	por !p2, p0  }
0x25: {  	s3 =	sand.u32 @!p0 s3, s14;
	s1 =	simm.s32 @p1 $0x1308;
	s2 =	simm.s32 @p2 $0x1380  }
0x26: {  	s0 =	ssub.s32 @!p0 s1, s0;
	s1 =	ssub.s32 @!p0 s2, s3  }
0x27: {  	s2 =	sadd.s32 @!p0 $0xFFFFECF8, s0;
	s3 =	sadd.s32 @!p0 $0xFFFFEC80, s1  }
0x28: {  	s0 =	ssub.s32 @!p0 $0x1388, s0;
	p1 =	sgt.s32 @!p0 s2, $0x7F;
	p2 =	sgt.s32 @!p0 s3, $0x7F  }
0x29: {  	s1 =	ssub.s32 @!p0 $0x1400, s1;
	p1 =	por !p1, p0;
	p2 =	por !p2, p0  }
0x2a: {  	s0 =	simm.s32 @!p1 $0x0;
	s1 =	simm.s32 @!p2 $0x0  }
0x2b: {  	s0 =	smul.u32 @!p0 s1, s0  }
0x2c: {  	s4 =	smov.u32 s12;
	s2 =	simm.s32 @!p0 $0x2;
	s1 =	sadd.s32 $0x80, s10  }
0x2d: {  	s3 =	sadd.s32 $0x1000, s12;
	p1 =	sgt.s32 s1, $0x1387;
	s0 =	sand.u32 @!p0 $0x3FFFFFFF, s0  }
0x2e: {  	s4 =	smov.u32 @p1 s3;
	_ =	swait.ge @!p0 [sflag:s2], s0  }
0x2f: {  	s1 =	simm.s32 @p1 $0x0;
	p1 =	sgt.s32 s4, $0x1387;
	s3 =	rddreg [dreg:$0x3]  }
0x30: {  	s4 =	smov.u32 @p1 s3;
	p1 =	sne.s32 s13, s8  }
.Ltmp1:
0x31: {  	_ = 	snop;
	(pc) =	sbr.rel @!p1 .LBB1_14-.Ltmp1, $4  }
0x32: {  	s15 =	smov.u32 s9  }
0x33: {  	s14 =	smov.u32 s11;
	s9 =	smov.u32 s10;
	s11 =	smov.u32 s12  }
0x34: {  	s0 =	ssub.s32 @!p0 $0x0, s0;
	s10 =	smov.u32 s1;
	[sflag:s2] =	ssyncset.done @!p0 $0x0  }
0x35: {  	s13 =	sadd.s32 $0x1, s13;
	[sflag:s2] =	ssyncadd.s32 @!p0 s0;
	s12 =	smov.u32 s4  }
.LBB1_1:
0x36: {  	s0 =	rddreg [dreg:$0x5]  }
0x37: {  	p0 =	sge.u32 s13, s0  }
0x38: {  	s5 =	smov.u32 s10;
	s0 =	sshrl.u32 @!p0 s12, $0x3;
	s1 =	sshll.u32 @!p0 s10, $0x3  }
0x39: {  	s2 =	sshll.u32 @!p0 s12, $0x7;
	s3 =	sand.u32 @!p0 $0x7F, s10;
	p1 =	sgt.s32 @!p0 s12, $0x1308  }
0x3a: {  	s4 =	sshra.s32 @!p0 s12, $0x1F;
	s6 =	sshra.s32 @!p0 s10, $0x1F;
	s0 =	smul.u32 @!p0 $0xA000, s0  }
0x3b: {  	s1 =	sand.u32 @!p0 $0xFFFFFC00, s1;
	s2 =	sand.u32 @!p0 $0x380, s2;
	p1 =	por !p1, p0  }
0x3c: {  	s4 =	sand.u32 @!p0 s4, s12;
	s0 =	sadd.s32 @!p0 s0, s1;
	s1 =	sor.u32 @!p0 s3, s2  }
0x3d: {  	s3 =	smov.u32 s12;
	s1 =	sor.u32 @!p0 s0, s1;
	s0 =	smulhi.u32 @!p0 $0xCCCCCCCD, s0  }
0x3e: {  	s3 =	simm.s32 @p1 $0x1308;
	p1 =	sgt.s32 @!p0 s10, $0x1380;
	s2 =	smulhi.u32 @!p0 $0xCCCCCCCD, s1  }
0x3f: {  	s6 =	sand.u32 @!p0 s6, s10;
	p1 =	por !p1, p0;
	s3 =	ssub.s32 @!p0 s3, s4  }
0x40: {  	s5 =	simm.s32 @p1 $0x1380;
	s0 =	sshrl.u32 @!p0 s0, $0xC;
	s2 =	sshrl.u32 @!p0 s2, $0xC  }
0x41: {  	s4 =	ssub.s32 @!p0 s5, s6;
	s5 =	smulhi.u32 @!p0 $0xD1B72, s0;
	s6 =	sadd.s32 @!p0 $0xFFFFECF8, s3  }
0x42: {  	s3 =	ssub.s32 @!p0 $0x1388, s3;
	s2 =	smul.u32 @!p0 $0x1400, s2;
	s7 =	sadd.s32 @!p0 $0xFFFFEC80, s4  }
0x43: {  	p1 =	sgt.s32 @!p0 s6, $0x7F;
	s4 =	ssub.s32 @!p0 $0x1400, s4;
	p2 =	sgt.s32 @!p0 s7, $0x7F  }
0x44: {  	s5 =	smul.u32 @!p0 $0x1388, s5;
	p1 =	por !p1, p0;
	s1 =	ssub.s32 @!p0 s1, s2  }
0x45: {  	s2 =	sxor.u32 @!p0 $0xFFFFFFFF, s13;
	p2 =	por !p2, p0;
	s3 =	simm.s32 @!p1 $0x0  }
0x46: {  	s2 =	sshll.u32 @!p0 s2, $0xE;
	s4 =	simm.s32 @!p2 $0x0;
	s0 =	ssub.s32 @!p0 s0, s5  }
0x47: {  	s5 =	rddreg [dreg:$0x4];
	s2 =	sand.u32 @!p0 $0x4000, s2;
	s3 =	smul.u32 @!p0 s3, s4  }
0x48: {  	s0 =	smul.u32 @!p0 $0x280, s0;
	s4 =	sshrl.u32 @!p0 s1, $0x3;
	s1 =	sand.u32 @!p0 $0x7, s1  }
0x49: {  	s4 =	sadd.s32 @!p0 s5, s4;
	s1 =	sshll.u32 @!p0 s1, $0x12;
	s3 =	sand.u32 @!p0 $0x3FFFFFFF, s3  }
0x4a: {  	s0 =	sadd.s32 @!p0 s0, s4;
	s1 =	sor.u32 @!p0 $0x400, s1;
	s4 =	simm.s32 @!p0 $0xA000  }
0x4b: {  	[tilespmem:s2], [sflag:$0x1] =	stream.strided.gather @!p0 [hbm4b:s0+s1], s3, s4, s1, $0x38;
	[tilespmem:$0x10100] =	vst v63  }
0x4c: {  	p0 =	seq.s32 s13, $0x0  }
0x4d: {  	p1 =	sge.u32 @!p0 s13, s8  }
0x4e: {  	p0 =	por p0, p1  }
.Ltmp2:
0x4f: {  	_ = 	snop;
	(pc) =	sbr.rel @p0 .LBB1_13-.Ltmp2, $1  }
0x50: {  	_ =	sdelay $0x3  }
0x51: {  	s0 =	ssub.s32 $0x0, s11;
	s1 =	sshra.s32 s11, $0x1F;
	p0 =	sgt.s32 s11, $0x1308  }
0x52: {  	s2 =	smov.u32 s11;
	s25 =	ssub.s32 $0x0, s9;
	s26 =	sshra.s32 s9, $0x1F  }
0x53: {  	s3 =	smov.u32 s9;
	s2 =	simm.s32 @!p0 $0x1308;
	p0 =	sgt.s32 s9, $0x1380  }
0x54: {  	s4 =	sand.u32 s0, s1;
	s1 =	sand.u32 s25, s26;
	s3 =	simm.s32 @!p0 $0x1380  }
0x55: {  	s2 =	sadd.s32 s4, s2;
	[dreg:$0xb] =	wrdreg s1;
	s1 =	sadd.s32 s1, s3  }
0x56: {  	s27 =	sadd.s32 $0xFFFFECF8, s2;
	s2 =	ssub.s32 $0x1388, s2;
	s28 =	sadd.s32 $0xFFFFEC80, s1  }
0x57: {  	p0 =	sgt.s32 s27, $0x7F;
	s0 =	ssub.s32 $0x1400, s1;
	p1 =	sgt.s32 s28, $0x7F  }
0x58: {  	s2 =	simm.s32 @p0 $0x0;
	s0 =	simm.s32 @p1 $0x0  }
0x59: {  	s29 =	smul.u32 s2, s0;
	s2 =	sadd.s32 $0x80, s11  }
0x5a: {  	p0 =	slt.s32 s2, $0x1388  }
0x5b: {  	s2 =	simm.s32 @!p0 $0x1388  }
0x5c: {  	[dreg:$0x9] =	wrdreg s15;
	s19 =	ssub.s32 s2, s11  }
0x5d: {  	[dreg:$0x8] =	wrdreg s14;
	p0 =	slt.s32 s19, $0x1  }
.Ltmp3:
0x5e: {  	[dreg:$0x7] =	wrdreg s9;
	s30 =	simm.s32 $0x1;
	(pc) =	sbr.rel @p0 .LBB1_12-.Ltmp3, $4  }
0x5f: {  	[dreg:$0xa] =	wrdreg s4;
	s0 =	sand.u32 $0x1, s13;
	s1 =	sand.u32 $0x3FFFFFFF, s29  }
0x60: {  	s31 =	smul.u32 $0x4080, s0;
	_ =	swait.ge [sflag:s30], s1  }
0x61: {  	s1 =	ssub.s32 $0x0, s1;
	[sflag:s30] =	ssyncset.done $0x0  }
0x62: {  	s18 =	sor.u32 $0x8000, s31;
	[sflag:s30] =	ssyncadd.s32 s1  }
0x63: {  	s2 =	rddreg [dreg:$0x7]  }
0x64: {  	s1 =	sadd.s32 $0x80, s2  }
0x65: {  	p0 =	slt.s32 s1, $0x1388  }
.Ltmp4:
0x66: {  	s1 =	simm.s32 @!p0 $0x1388;
	(pc) =	sbr.rel .LBB1_4-.Ltmp4, $4  }
0x67: {  	s22 =	sshll.u32 s0, $0xE;
	s1 =	ssub.s32 s1, s2  }
0x68: {  	s24 =	simm.s32 $0x0;
	s25 =	simm.s32 $0x400;
	s1 =	sadd.s32 $0xF, s1  }
0x69: {  	s20 =	sand.u32 $0xFFFFFFF0, s1;
	s21 =	sand.u32 $0xFFFFFF00, s1;
	s31 =	sshll.u32 s1, $0x3  }
0x6a: {  	p0 =	slt.s32 s1, $0x100;
	s23 =	sand.u32 $0xFFFFF800, s31;
	p1 =	sge.s32 s21, s20  }
.LBB1_11:
0x6b: {  	s24 =	sadd.s32 $0x1, s24  }
0x6c: {  	p2 =	sne.s32 s24, s19  }
.Ltmp5:
0x6d: {  	_ = 	snop;
	(pc) =	sbr.rel @!p2 .LBB1_12-.Ltmp5, $2  }
0x6e: {  	_ =	sdelay $0x2  }
0x6f: {  	s25 =	sadd.s32 $0x80, s25  }
.LBB1_4:
.Ltmp6:
0x70: {  	(pc) =	sbr.rel @p0 .LBB1_8-.Ltmp6, $2  }
0x71: {  	_ =	sdelay $0x2  }
0x72: {  	s26 =	sshll.u32 s24, $0x7;
	s27 =	sand.u32 $0x7F, s24  }
0x73: {  	s0 =	sshll.u32 s24, $0x3  }
0x74: {  	s5 =	sand.u32 $0x380, s26;
	s3 =	sshrl.u32 s0, $0x7;
	s2 =	sadd.s32 $0x800, s0  }
0x75: {  	s6 =	sadd.s32 $0x1000, s0;
	s17 =	sadd.s32 s5, s22;
	s16 =	sadd.s32 $0x1800, s0  }
0x76: {  	s9 =	sadd.s32 $0x2800, s0;
	s1 =	sand.u32 $0x78, s3;
	s2 =	sshrl.u32 s2, $0x7  }
0x77: {  	s15 =	sshrl.u32 s6, $0x7;
	s6 =	sshrl.u32 s16, $0x7;
	s14 =	sshrl.u32 s9, $0x7  }
0x78: {  	s16 =	sadd.s32 $0x3000, s0;
	s4 =	smul.u32 $0x204, s1;
	s2 =	sand.u32 $0x78, s2  }
0x79: {  	s0 =	sadd.s32 $0x3800, s0;
	s5 =	sand.u32 $0x78, s15;
	s2 =	smul.u32 $0x204, s2  }
0x7a: {  	v0 =	vmov s17;
	s17 =	sand.u32 $0x3C00, s25;
	s1 =	sxor.u32 $0x40, s1;
	s5 =	smul.u32 $0x204, s5  }
0x7b: {  	s7 =	sand.u32 $0x78, s6;
	s1 =	smul.u32 $0x204, s1;
	s4 =	sshrl.u32 s4, $0x2  }
0x7c: {  	s4 =	sadd.s32 s4, s18;
	s2 =	sshrl.u32 s2, $0x2;
	s8 =	sshrl.u32 s5, $0x2  }
0x7d: {  	s1 =	sshrl.u32 s1, $0x2;
	s2 =	sadd.s32 s2, s18;
	s28 =	sadd.s32 s27, s4  }
0x7e: {  	s4 =	sadd.s32 s8, s18;
	s15 =	sadd.s32 s1, s18;
	s8 =	sshrl.u32 s0, $0x7  }
0x7f: {  	s29 =	sadd.s32 s27, s2;
	s2 =	smul.u32 $0x204, s7;
	s30 =	sadd.s32 s27, s4  }
0x80: {  	s4 =	sand.u32 $0x78, s14;
	s31 =	sadd.s32 s27, s15;
	s7 =	sshrl.u32 s16, $0x7  }
0x81: {  	s9 =	sand.u32 $0x78, s8;
	s14 =	sadd.s32 $0x10, s3;
	s15 =	sadd.s32 $0x20, s3  }
0x82: {  	s4 =	smul.u32 $0x204, s4;
	s5 =	sand.u32 $0x78, s14;
	s6 =	sand.u32 $0x78, s15  }
0x83: {  	s14 =	sadd.s32 $0x60, s3;
	s2 =	sshrl.u32 s2, $0x2;
	s5 =	smul.u32 $0x204, s5  }
0x84: {  	s6 =	smul.u32 $0x204, s6;
	s14 =	sand.u32 $0x78, s14;
	s2 =	sadd.s32 s2, s18  }
0x85: {  	s4 =	sshrl.u32 s4, $0x2;
	s14 =	smul.u32 $0x204, s14;
	s1 =	sadd.s32 s27, s2  }
0x86: {  	s2 =	sand.u32 $0x78, s7;
	s4 =	sadd.s32 s4, s18;
	s5 =	sshrl.u32 s5, $0x2  }
0x87: {  	s7 =	sadd.s32 $0x30, s3;
	s0 =	sadd.s32 s27, s4;
	s4 =	smul.u32 $0x204, s9  }
0x88: {  	s16 =	sadd.s32 s5, s18;
	s5 =	sand.u32 $0x78, s7;
	s7 =	sadd.s32 $0x50, s3  }
0x89: {  	s6 =	sshrl.u32 s6, $0x2;
	s3 =	sadd.s32 $0x70, s3;
	s7 =	sand.u32 $0x78, s7  }
0x8a: {  	v1 =	vld.idx.msk [tilespmem:v0+s17+$0x0 ss:$0x1], $0xffff;
	s3 =	sand.u32 $0x78, s3;
	s4 =	sshrl.u32 s4, $0x2;
	s7 =	smul.u32 $0x204, s7  }
0x8b: {  	s14 =	sshrl.u32 s14, $0x2;
	s3 =	smul.u32 $0x204, s3;
	s4 =	sadd.s32 s4, s18  }
0x8c: {  	s15 =	sadd.s32 s6, s18;
	s14 =	sadd.s32 s14, s18;
	s8 =	sadd.s32 s27, s4  }
0x8d: {  	s4 =	sadd.s32 s27, s15;
	s7 =	sshrl.u32 s7, $0x2;
	s3 =	sshrl.u32 s3, $0x2  }
0x8e: {  	s15 =	sadd.s32 $0xFFFFFC00, s25;
	s7 =	sadd.s32 s7, s18;
	s9 =	sadd.s32 s3, s18  }
0x8f: {  	[tilespmem:s28+$0x0 ss:$0x81] =	vst.msk $0xffff, v1;
	v1 =	vld.idx.msk [tilespmem:v0+s17+$0x20 ss:$0x1], $0xffff;
	s3 =	sadd.s32 s27, s7;
	s7 =	sadd.s32 s27, s14;
	s14 =	sand.u32 $0x3C00, s15  }
0x90: {  	v2 =	vld.idx.msk [tilespmem:v0+s14+$0x70 ss:$0x1], $0xffff  }
0x91: {  	v3 =	vld.idx.msk [tilespmem:v0+s14+$0x0 ss:$0x1], $0xffff  }
0x92: {  	v4 =	vld.idx.msk [tilespmem:v0+s14+$0x10 ss:$0x1], $0xffff  }
0x93: {  	v5 =	vld.idx.msk [tilespmem:v0+s14+$0x20 ss:$0x1], $0xffff  }
0x94: {  	v6 =	vld.idx.msk [tilespmem:v0+s14+$0x30 ss:$0x1], $0xffff  }
0x95: {  	v7 =	vld.idx.msk [tilespmem:v0+s14+$0x40 ss:$0x1], $0xffff;
	[tilespmem:s8+$0x0 ss:$0x81] =	vst.msk $0xffff, v2  }
0x96: {  	s2 =	smul.u32 $0x204, s2;
	v8 =	vld.idx.msk [tilespmem:v0+s14+$0x50 ss:$0x1], $0xffff;
	[tilespmem:s28+$0x0 ss:$0x81] =	vst.msk $0xffff, v3  }
0x97: {  	p2 =	sgt.s32 s21, $0x100;
	s5 =	smul.u32 $0x204, s5;
	v9 =	vld.idx.msk [tilespmem:v0+s14+$0x60 ss:$0x1], $0xffff;
	[tilespmem:s29+$0x0 ss:$0x81] =	vst.msk $0xffff, v4  }
.Ltmp7:
0x98: {  	v4 =	vld.idx.msk [tilespmem:v0+s17+$0x10 ss:$0x1], $0xffff;
	[tilespmem:s30+$0x0 ss:$0x81] =	vst.msk $0xffff, v5;
	(pc) =	sbr.rel @!p2 .LBB1_7-.Ltmp7, $4  }
0x99: {  	s2 =	sshrl.u32 s2, $0x2;
	s5 =	sshrl.u32 s5, $0x2;
	[tilespmem:s1+$0x0 ss:$0x81] =	vst.msk $0xffff, v6;
	v2 =	vld.idx.msk [tilespmem:v0+s17+$0x30 ss:$0x1], $0xffff  }
0x9a: {  	s2 =	sadd.s32 s2, s18;
	s5 =	sadd.s32 s5, s18;
	[tilespmem:s31+$0x0 ss:$0x81] =	vst.msk $0xffff, v7;
	v3 =	vld.idx.msk [tilespmem:v0+s17+$0x40 ss:$0x1], $0xffff  }
0x9b: {  	s6 =	sadd.s32 s27, s16;
	s2 =	sadd.s32 s27, s2;
	s5 =	sadd.s32 s27, s5;
	[tilespmem:s0+$0x0 ss:$0x81] =	vst.msk $0xffff, v8;
	v5 =	vld.idx.msk [tilespmem:v0+s17+$0x50 ss:$0x1], $0xffff  }
0x9c: {  	s16 =	sadd.s32 s27, s9;
	s15 =	sadd.s32 $0x800, s25;
	s14 =	simm.s32 $0x100;
	[tilespmem:s2+$0x0 ss:$0x81] =	vst.msk $0xffff, v9;
	v6 =	vld.idx.msk [tilespmem:v0+s17+$0x60 ss:$0x1], $0xffff  }
.LBB1_6:
0x9d: {  	s9 =	sadd.s32 $0xFFFFFC00, s15;
	s14 =	sadd.s32 $0x100, s14;
	[tilespmem:s6+$0x0 ss:$0x81] =	vst.msk $0xffff, v4;
	v4 =	vld.idx.msk [tilespmem:v0+s17+$0x70 ss:$0x1], $0xffff;
	s17 =	sand.u32 $0x3C00, s15  }
0x9e: {  	s9 =	sand.u32 $0x3C00, s9;
	v7 =	vld.idx.msk [tilespmem:v0+s17+$0x0 ss:$0x1], $0xffff;
	p2 =	slt.s32 s14, s21;
	[tilespmem:s4+$0x0 ss:$0x81] =	vst.msk $0xffff, v1  }
0x9f: {  	v1 =	vld.idx.msk [tilespmem:v0+s9+$0x70 ss:$0x1], $0xffff;
	[tilespmem:s5+$0x0 ss:$0x81] =	vst.msk $0xffff, v2  }
0xa0: {  	v2 =	vld.idx.msk [tilespmem:v0+s9+$0x0 ss:$0x1], $0xffff;
	[tilespmem:s31+$0x0 ss:$0x81] =	vst.msk $0xffff, v3  }
0xa1: {  	v3 =	vld.idx.msk [tilespmem:v0+s9+$0x10 ss:$0x1], $0xffff;
	[tilespmem:s3+$0x0 ss:$0x81] =	vst.msk $0xffff, v5  }
0xa2: {  	v5 =	vld.idx.msk [tilespmem:v0+s9+$0x20 ss:$0x1], $0xffff;
	[tilespmem:s7+$0x0 ss:$0x81] =	vst.msk $0xffff, v6  }
0xa3: {  	v6 =	vld.idx.msk [tilespmem:v0+s9+$0x30 ss:$0x1], $0xffff;
	[tilespmem:s16+$0x0 ss:$0x81] =	vst.msk $0xffff, v4  }
0xa4: {  	v8 =	vld.idx.msk [tilespmem:v0+s9+$0x40 ss:$0x1], $0xffff;
	[tilespmem:s28+$0x0 ss:$0x81] =	vst.msk $0xffff, v7  }
0xa5: {  	v7 =	vld.idx.msk [tilespmem:v0+s9+$0x50 ss:$0x1], $0xffff;
	[tilespmem:s8+$0x0 ss:$0x81] =	vst.msk $0xffff, v1  }
0xa6: {  	[tilespmem:s28+$0x0 ss:$0x81] =	vst.msk $0xffff, v2;
	v9 =	vld.idx.msk [tilespmem:v0+s9+$0x60 ss:$0x1], $0xffff  }
0xa7: {  	[tilespmem:s29+$0x0 ss:$0x81] =	vst.msk $0xffff, v3;
	v4 =	vld.idx.msk [tilespmem:v0+s17+$0x10 ss:$0x1], $0xffff  }
.Ltmp8:
0xa8: {  	[tilespmem:s30+$0x0 ss:$0x81] =	vst.msk $0xffff, v5;
	v1 =	vld.idx.msk [tilespmem:v0+s17+$0x20 ss:$0x1], $0xffff;
	(pc) =	sbr.rel @p2 .LBB1_6-.Ltmp8, $4  }
0xa9: {  	[tilespmem:s1+$0x0 ss:$0x81] =	vst.msk $0xffff, v6;
	v2 =	vld.idx.msk [tilespmem:v0+s17+$0x30 ss:$0x1], $0xffff  }
0xaa: {  	[tilespmem:s31+$0x0 ss:$0x81] =	vst.msk $0xffff, v8;
	v3 =	vld.idx.msk [tilespmem:v0+s17+$0x40 ss:$0x1], $0xffff  }
0xab: {  	[tilespmem:s0+$0x0 ss:$0x81] =	vst.msk $0xffff, v7;
	v5 =	vld.idx.msk [tilespmem:v0+s17+$0x50 ss:$0x1], $0xffff  }
0xac: {  	s15 =	sadd.s32 $0x800, s15;
	[tilespmem:s2+$0x0 ss:$0x81] =	vst.msk $0xffff, v9;
	v6 =	vld.idx.msk [tilespmem:v0+s17+$0x60 ss:$0x1], $0xffff  }
.LBB1_7:
0xad: {  	_ =	sdelay $0x2  }
0xae: {  	[tilespmem:s6+$0x0 ss:$0x81] =	vst.msk $0xffff, v4  }
0xaf: {  	v0 =	vld.idx.msk [tilespmem:v0+s17+$0x70 ss:$0x1], $0xffff;
	[tilespmem:s4+$0x0 ss:$0x81] =	vst.msk $0xffff, v1  }
0xb0: {  	[tilespmem:s5+$0x0 ss:$0x81] =	vst.msk $0xffff, v2  }
0xb1: {  	[tilespmem:s31+$0x0 ss:$0x81] =	vst.msk $0xffff, v3  }
0xb2: {  	[tilespmem:s3+$0x0 ss:$0x81] =	vst.msk $0xffff, v5  }
0xb3: {  	[tilespmem:s7+$0x0 ss:$0x81] =	vst.msk $0xffff, v6  }
0xb4: {  	[tilespmem:s16+$0x0 ss:$0x81] =	vst.msk $0xffff, v0  }
.LBB1_8:
.Ltmp9:
0xb5: {  	(pc) =	sbr.rel @p1 .LBB1_11-.Ltmp9, $1  }
0xb6: {  	_ =	sdelay $0x3  }
0xb7: {  	s1 =	sand.u32 $0x380, s26;
	s0 =	sshrl.u32 s24, $0x4;
	s2 =	sadd.s32 s27, s18  }
0xb8: {  	s3 =	smov.u32 s23;
	s4 =	smov.u32 s21;
	s1 =	sadd.s32 s1, s22  }
.LBB1_10:
0xb9: {  	s5 =	sand.u32 $0x3C00, s3  }
0xba: {  	s5 =	sadd.s32 s26, s5  }
0xbb: {  	s5 =	sand.u32 $0x3C00, s5  }
0xbc: {  	s6 =	sand.u32 $0x70, s4;
	s30 =	sadd.s32 s4, s0;
	s5 =	sadd.s32 s5, s1  }
0xbd: {  	s4 =	sadd.s32 $0x10, s4;
	s31 =	sand.u32 $0x78, s30;
	s5 =	sadd.s32 s6, s5  }
0xbe: {  	p2 =	slt.s32 s4, s20;
	v0 =	vld [tilespmem:s5+$0x0];
	s5 =	smul.u32 $0x204, s31  }
.Ltmp10:
0xbf: {  	_ = 	snop;
	(pc) =	sbr.rel @p2 .LBB1_10-.Ltmp10, $4  }
0xc0: {  	_ = 	snop  }
0xc1: {  	s5 =	sshrl.u32 s5, $0x2  }
0xc2: {  	s5 =	sadd.s32 s5, s2  }
0xc3: {  	s3 =	sadd.s32 $0x80, s3;
	[tilespmem:s5+$0x0 ss:$0x81] =	vst.msk $0xffff, v0  }
.Ltmp11:
0xc4: {  	_ = 	snop;
	(pc) =	sbr.rel .LBB1_11-.Ltmp11, $1  }
0xc5: {  	_ =	sdelay $0x3  }
.LBB1_14:
0xc6: {  	_ =	sfence.sel $0x180000  }
0xc7: {  	s0 =	simm.s32 $0x1;
	[bflag:$0x0] =	sbarrier.arrive $0xFFFF  }
0xc8: {  	s30 =	simm.s32 $0x2;
	[sflag:s0] =	ssyncpa.u1 $0x1  }
0xc9: {  	[sflag:s30] =	ssyncpa.u1 $0x1  }
0xca: {  	_ =	strace $0x90000053  }
0xcb: {  	s31 =	stileid.u32;
	[bflag:$0x2] =	sbarrier.arrive $0xFFFF  }
0xcc: {  	p0 =	sne.s32 s31, $0x0;
	s0 =	rddreg [dreg:$0x2]  }
0xcd: {  	s0 =	sadd.s32 @!p0 $0x100000, s0  }
0xce: {  	[sflag:s0] =	ssyncadd.tile.s32 @!p0 $0x1;
	_ =	shalt  }
.Lfunc_end1:
_tile_overlayer_lowered:
.L_overlay_start_2:
0xcf: {  	(tag) =	ssettag $0x2  }
0xd0: {  	s0 =	rddreg [dreg:$0x0];
	s2 =	stileid.u32  }
0xd1: {  	s1 =	rddreg [dreg:$0x1];
	p0 =	sne.s32 s2, $0x0  }
0xd2: {  	s3 =	rddreg [dreg:$0x2];
	[bflag:$0x3] =	sbarrier.arrive $0xFFFF;
	s2 =	simm.s32 @!p0 $0x1C01  }
0xd3: {  	[timem:s3], [sflag:s2] =	dma.local @!p0 [hbm:s0], s1  }
0xd4: {  	s0 =	simm.s32 @!p0 $0x1  }
0xd5: {  	_ =	swait.ge @!p0 [sflag:s0], s1  }
0xd6: {  	s1 =	ssub.s32 @!p0 $0x0, s1;
	[sflag:s0] =	ssyncset.done @!p0 $0x0  }
0xd7: {  	[sflag:s0] =	ssyncadd.s32 @!p0 s1  }
0xd8: {  	[bflag:$0x3] =	sbarrier.arrive $0xFFFF  }
0xd9: {  	_ =	shalt  }

</sc_bundles>
